<compile_context>
chip_gen: v7x
topology: tpu7x:2x2x1
jax: 0.10.2.dev20260603
libtpu: 0.0.44.dev20260713+nightly
codegen_flags: <defaults>
</compile_context>

<pallas_src>
import functools

import jax
import jax.numpy as jnp
from jax import lax
from jax.experimental import pallas as pl
from jax.experimental.pallas import tpu as pltpu
from jax.experimental.pallas import tpu_sc as plsc

_EPS = 1e-12

try:
    _info = plsc.get_sparse_core_info()
    _NC, _NS = _info.num_cores, _info.num_subcores
except Exception:
    _NC, _NS = 2, 16
_NW = _NC * _NS


def _sc_gather(tokens, table):
    n_tok = tokens.shape[0]
    h = table.shape[1]
    per_w = n_tok // _NW
    chunk = 80
    n_chunks = per_w // chunk
    assert per_w % chunk == 0 and n_chunks % 2 == 0 and n_chunks >= 4
    mesh = plsc.VectorSubcoreMesh(core_axis_name="c", subcore_axis_name="s")

    @functools.partial(
        pl.kernel,
        out_type=jax.ShapeDtypeStruct((n_tok, h), table.dtype),
        mesh=mesh,
        scratch_types=[
            pltpu.VMEM((chunk,), jnp.int32),
            pltpu.VMEM((chunk,), jnp.int32),
            pltpu.VMEM((chunk, h), table.dtype),
            pltpu.VMEM((chunk, h), table.dtype),
            pltpu.SemaphoreType.DMA,
            pltpu.SemaphoreType.DMA,
            pltpu.SemaphoreType.DMA,
            pltpu.SemaphoreType.DMA,
        ],
    )
    def gather_kernel(tok_hbm, table_hbm, out_hbm,
                      idx0, idx1, rows0, rows1, g0, g1, s0, s1):
        wid = lax.axis_index("s") * _NC + lax.axis_index("c")
        base = wid * per_w
        bufs = ((idx0, rows0, g0, s0), (idx1, rows1, g1, s1))

        for j in range(2):
            idx, rows, g, _ = bufs[j]
            pltpu.sync_copy(tok_hbm.at[pl.ds(base + j * chunk, chunk)], idx)
            pltpu.async_copy(table_hbm.at[idx], rows, g)

        def pair_body(p, carry):
            for j in range(2):
                idx, rows, g, s = bufs[j]
                off = base + (2 * p + j) * chunk
                pltpu.make_async_copy(table_hbm.at[idx], rows, g).wait()
                pltpu.async_copy(rows, out_hbm.at[pl.ds(off, chunk)], s)
                pltpu.sync_copy(
                    tok_hbm.at[pl.ds(off + 2 * chunk, chunk)], idx)
                pltpu.make_async_copy(
                    rows, out_hbm.at[pl.ds(off, chunk)], s).wait()
                pltpu.async_copy(table_hbm.at[idx], rows, g)
            return carry

        lax.fori_loop(0, n_chunks // 2 - 1, pair_body, 0)

        for j in range(2):
            idx, rows, g, _ = bufs[j]
            off = base + (n_chunks - 2 + j) * chunk
            pltpu.make_async_copy(table_hbm.at[idx], rows, g).wait()
            pltpu.sync_copy(rows, out_hbm.at[pl.ds(off, chunk)])

    return gather_kernel(tokens, table)


def _tc_fuse(word_rows, spatial_t, tmask_t, pos3, type_emb, proj_w,
             proj_b, ln_gamma, ln_beta, bb, block_off, prev_out):
    l_all, bpart, h = word_rows.shape
    b = spatial_t.shape[1]
    lq = spatial_t.shape[0]
    s = spatial_t.shape[2]
    grid = (bpart // bb,)

    def _ln(x, g, be):
        mean = jnp.mean(x, axis=-1, keepdims=True)
        cent = x - mean
        var = jnp.mean(cent * cent, axis=-1, keepdims=True)
        return cent * lax.rsqrt(var + _EPS) * g + be

    def body(wr_ref, sp_ref, tm_ref, pos_ref, te_ref, w_ref, pb_ref, g_ref,
             be_ref, *rest):
        out_ref = rest[-1]
        g = g_ref[...].reshape(1, 1, h)
        be = be_ref[...].reshape(1, 1, h)

        te0 = te_ref[0:1, :].reshape(1, 1, h)
        te_d = (te_ref[1:2, :] - te_ref[0:1, :]).reshape(1, 1, h)
        q = wr_ref[:lq] + pos_ref[...] + te0 + tm_ref[...] * te_d
        out_ref[:lq] = _ln(q, g, be)

        sp2 = sp_ref[...].reshape(lq * bb, s)
        proj = jnp.dot(sp2, w_ref[...].astype(jnp.bfloat16),
                       preferred_element_type=jnp.float32)
        i_emb = wr_ref[lq:] + proj.reshape(lq, bb, h) \
            + pb_ref[...].reshape(1, 1, h)
        out_ref[lq:] = _ln(i_emb, g, be)

    in_specs = [
        pl.BlockSpec((l_all, bb, h), lambda i: (0, i, 0)),
        pl.BlockSpec((lq, bb, s), lambda i, o=block_off: (0, i + o, 0)),
        pl.BlockSpec((lq, bb, 1), lambda i, o=block_off: (0, i + o, 0)),
        pl.BlockSpec((lq, 1, h), lambda i: (0, 0, 0)),
        pl.BlockSpec((2, h), lambda i: (0, 0)),
        pl.BlockSpec((s, h), lambda i: (0, 0)),
        pl.BlockSpec((1, h), lambda i: (0, 0)),
        pl.BlockSpec((1, h), lambda i: (0, 0)),
        pl.BlockSpec((1, h), lambda i: (0, 0)),
    ]
    args = [word_rows, spatial_t, tmask_t, pos3, type_emb, proj_w,
            proj_b, ln_gamma, ln_beta]
    aliases = {}
    if prev_out is not None:
        in_specs.append(pl.BlockSpec(memory_space=pl.ANY))
        args.append(prev_out)
        aliases = {9: 0}
    return pl.pallas_call(
        body,
        grid=grid,
        in_specs=in_specs,
        out_specs=pl.BlockSpec((l_all, bb, h),
                               lambda i, o=block_off: (0, i + o, 0)),
        out_shape=jax.ShapeDtypeStruct((l_all, b, h), jnp.float32),
        input_output_aliases=aliases,
        compiler_params=pltpu.CompilerParams(
            dimension_semantics=("parallel",),
        ),
    )(*args)


def kernel(question_tokens, image_tokens, spatial_embeddings, token_type_ids,
           word_emb, pos_emb, type_emb, proj_W, proj_b, ln_gamma, ln_beta):
    b, lq = question_tokens.shape
    li = image_tokens.shape[1]
    v, h = word_emb.shape
    s = spatial_embeddings.shape[2]
    l_all = lq + li

    tok_t = jnp.concatenate(
        [jnp.clip(question_tokens, 0, v - 1),
         jnp.clip(image_tokens, 0, v - 1)], axis=1).T
    sp_t = spatial_embeddings.astype(jnp.bfloat16).transpose(1, 0, 2)
    tmask_t = jnp.clip(token_type_ids, 0, 1).astype(jnp.float32) \
        .T.reshape(lq, b, 1)
    pos3 = pos_emb[:lq].reshape(lq, 1, h)

    n_parts, bb = 2, 16
    bpart = b // n_parts
    stages = [
        _sc_gather(
            lax.slice_in_dim(tok_t, k * bpart, (k + 1) * bpart, axis=1)
            .reshape(l_all * bpart),
            word_emb).reshape(l_all, bpart, h)
        for k in range(n_parts)
    ]
    out = None
    for k in range(n_parts):
        out = _tc_fuse(stages[k], sp_t, tmask_t, pos3, type_emb, proj_W,
                       proj_b.reshape(1, h), ln_gamma.reshape(1, h),
                       ln_beta.reshape(1, h), bb=bb,
                       block_off=k * (bpart // bb), prev_out=out)
    return out.transpose(1, 0, 2)

# --- scband reference (transcript-rebuilt; emitter-appended) ---
"""Pipeline reference for scband-bert-embeddings-with-spatial-embedding-68092411511069 (READ-ONLY COPY).

The authoritative reference and input builder live on the scoring server;
editing this copy changes nothing except your own understanding.
"""

import jax, jax.numpy as jnp
import numpy as np

B, Lq, Li = 1024, 50, 50
V, H, P, T, S = 100000, 768, 512, 2, 1024
EPS = 1e-12


def setup_inputs(seed: int = 0) -> dict:
    key = jax.random.key(seed)
    ks = jax.random.split(key, 10)
    question_tokens = jax.random.randint(ks[0], (B, Lq), 0, V, dtype=jnp.int32)
    image_tokens = jax.random.randint(ks[1], (B, Li), 0, V, dtype=jnp.int32)
    spatial_embeddings = jax.random.normal(ks[2], (B, Li, S), dtype=jnp.float32)
    token_type_ids = jax.random.randint(ks[3], (B, Lq), 0, T, dtype=jnp.int32)
    word_emb = jax.random.normal(ks[4], (V, H), dtype=jnp.float32) * 0.02
    pos_emb = jax.random.normal(ks[5], (P, H), dtype=jnp.float32) * 0.02
    type_emb = jax.random.normal(ks[6], (T, H), dtype=jnp.float32) * 0.02
    proj_W = jax.random.normal(ks[7], (S, H), dtype=jnp.float32) * 0.02
    proj_b = jnp.zeros((H,), dtype=jnp.float32)
    ln_gamma = jnp.ones((H,), dtype=jnp.float32)
    ln_beta = jnp.zeros((H,), dtype=jnp.float32)
    return {
        "question_tokens": question_tokens,
        "image_tokens": image_tokens,
        "spatial_embeddings": spatial_embeddings,
        "token_type_ids": token_type_ids,
        "word_emb": word_emb,
        "pos_emb": pos_emb,
        "type_emb": type_emb,
        "proj_W": proj_W,
        "proj_b": proj_b,
        "ln_gamma": ln_gamma,
        "ln_beta": ln_beta,
    }


def reference(question_tokens, image_tokens, spatial_embeddings, token_type_ids,
              word_emb, pos_emb, type_emb, proj_W, proj_b, ln_gamma, ln_beta):
    q_seq_length = question_tokens.shape[1]
    position_ids = jnp.arange(q_seq_length, dtype=jnp.int32)[None, :]
    q_words_embeddings = jnp.take(word_emb, question_tokens, axis=0)
    position_embeddings = jnp.take(pos_emb, position_ids, axis=0)
    token_type_embeddings = jnp.take(type_emb, token_type_ids, axis=0)
    q_embeddings = q_words_embeddings + position_embeddings + token_type_embeddings
    i_word_embeddings = jnp.take(word_emb, image_tokens, axis=0)
    projected_spatial = jnp.einsum('bls,sh->blh', spatial_embeddings, proj_W) + proj_b
    i_embeddings = i_word_embeddings + projected_spatial
    embeddings = jnp.concatenate((q_embeddings, i_embeddings), axis=1)
    mean = jnp.mean(embeddings, axis=-1, keepdims=True)
    var = jnp.mean(jnp.square(embeddings - mean), axis=-1, keepdims=True)
    normed = (embeddings - mean) / jnp.sqrt(var + EPS)
    out = normed * ln_gamma + ln_beta
    # dropout is identity in eval mode
    return out

if __name__ == "__main__":
    import jax
    _d = setup_inputs()
    print(jax.jit(kernel)(*tuple(_d.values())))

</pallas_src>

<mosaic_0001>
#map = affine_map<(d0, d1) -> (0)>
#map1 = affine_map<(d0, d1) -> (0, 0)>
module attributes {stable_mosaic.version = 14 : i64} {
  func.func @gather_kernel(%arg0: i32, %arg1: i32, %arg2: memref<51200xi32, #tpu.memory_space<hbm>>, %arg3: memref<100000x768xf32, #tpu.memory_space<hbm>>, %arg4: memref<51200x768xf32, #tpu.memory_space<hbm>>, %arg5: memref<80xi32, #tpu.memory_space<vmem>>, %arg6: memref<80xi32, #tpu.memory_space<vmem>>, %arg7: memref<80x768xf32, #tpu.memory_space<vmem>>, %arg8: memref<80x768xf32, #tpu.memory_space<vmem>>, %arg9: memref<!tpu.dma_semaphore, #tpu.memory_space<semaphore_mem>>, %arg10: memref<!tpu.dma_semaphore, #tpu.memory_space<semaphore_mem>>, %arg11: memref<!tpu.dma_semaphore, #tpu.memory_space<semaphore_mem>>, %arg12: memref<!tpu.dma_semaphore, #tpu.memory_space<semaphore_mem>>) attributes {dimension_semantics = [#tpu.dimension_semantics<core_parallel>, #tpu.dimension_semantics<subcore_parallel>], iteration_bounds = array<i64: 2, 16>, scalar_prefetch = 0 : i64, scratch_operands = 8 : i64, tpu.core_type = #tpu.core_type<sc_vector_subcore>, window_params = [{transform_indices = #map}, {transform_indices = #map1}, {transform_indices = #map1}]} {
    %mul3A = arith.constant 2 : i32
    %mul3A_0 = arith.muli %arg1, %mul3A : i32
    %add3A = arith.addi %mul3A_0, %arg0 : i32
    %mul3A_1 = arith.constant 1600 : i32
    %mul3A_2 = arith.muli %add3A, %mul3A_1 : i32
    %add3A_3 = arith.constant 0 : i32
    %add3A_4 = arith.addi %mul3A_2, %add3A_3 : i32
    "tpu.region"() ({
      %run_scoped3A = tpu.sem_alloc : memref<!tpu.dma_semaphore, #tpu.memory_space<semaphore_mem>>
      %dma_start3A_26 = tpu.memref_slice %arg2[%add3A_4] : memref<51200xi32, #tpu.memory_space<hbm>> -> memref<80xi32, #tpu.memory_space<hbm>>
      %dma_start3A_27 = tpu.memref_slice %arg2[%add3A_4] : memref<51200xi32, #tpu.memory_space<hbm>> -> memref<80xi32, #tpu.memory_space<hbm>>
      tpu.enqueue_dma source(%dma_start3A_27 : memref<80xi32, #tpu.memory_space<hbm>>) target(%arg5 : memref<80xi32, #tpu.memory_space<vmem>>) target_semaphore(%run_scoped3A : memref<!tpu.dma_semaphore, #tpu.memory_space<semaphore_mem>>)
      %dma_wait3A_28 = tpu.memref_slice %arg2[%add3A_4] : memref<51200xi32, #tpu.memory_space<hbm>> -> memref<80xi32, #tpu.memory_space<hbm>>
      %dma_wait3A_29 = tpu.memref_slice %arg2[%add3A_4] : memref<51200xi32, #tpu.memory_space<hbm>> -> memref<80xi32, #tpu.memory_space<hbm>>
      tpu.wait_dma2 semaphore(%run_scoped3A : memref<!tpu.dma_semaphore, #tpu.memory_space<semaphore_mem>>) src(%dma_wait3A_29 : memref<80xi32, #tpu.memory_space<hbm>>) dst(%arg5 : memref<80xi32, #tpu.memory_space<vmem>>)
      tpu.yield
    }) : () -> ()
    %dma_start3A = arith.constant 0 : i32
    %dma_start3A_5 = arith.constant 0 : i32
    %dma_start3A_6 = tpu.memref_slice %arg3[%dma_start3A, %dma_start3A_5] : memref<100000x768xf32, #tpu.memory_space<hbm>> -> memref<100000x768xf32, #tpu.memory_space<hbm>>
    tpu.enqueue_indirect_dma source(%dma_start3A_6 : memref<100000x768xf32, #tpu.memory_space<hbm>>) target(%arg7 : memref<80x768xf32, #tpu.memory_space<vmem>>) offsets(%arg5 : memref<80xi32, #tpu.memory_space<vmem>>) semaphore(%arg9 : memref<!tpu.dma_semaphore, #tpu.memory_space<semaphore_mem>>)
    %add3A_7 = arith.constant 80 : i32
    %add3A_8 = arith.addi %mul3A_2, %add3A_7 : i32
    "tpu.region"() ({
      %run_scoped3A = tpu.sem_alloc : memref<!tpu.dma_semaphore, #tpu.memory_space<semaphore_mem>>
      %dma_start3A_26 = tpu.memref_slice %arg2[%add3A_8] : memref<51200xi32, #tpu.memory_space<hbm>> -> memref<80xi32, #tpu.memory_space<hbm>>
      %dma_start3A_27 = tpu.memref_slice %arg2[%add3A_8] : memref<51200xi32, #tpu.memory_space<hbm>> -> memref<80xi32, #tpu.memory_space<hbm>>
      tpu.enqueue_dma source(%dma_start3A_27 : memref<80xi32, #tpu.memory_space<hbm>>) target(%arg6 : memref<80xi32, #tpu.memory_space<vmem>>) target_semaphore(%run_scoped3A : memref<!tpu.dma_semaphore, #tpu.memory_space<semaphore_mem>>)
      %dma_wait3A_28 = tpu.memref_slice %arg2[%add3A_8] : memref<51200xi32, #tpu.memory_space<hbm>> -> memref<80xi32, #tpu.memory_space<hbm>>
      %dma_wait3A_29 = tpu.memref_slice %arg2[%add3A_8] : memref<51200xi32, #tpu.memory_space<hbm>> -> memref<80xi32, #tpu.memory_space<hbm>>
      tpu.wait_dma2 semaphore(%run_scoped3A : memref<!tpu.dma_semaphore, #tpu.memory_space<semaphore_mem>>) src(%dma_wait3A_29 : memref<80xi32, #tpu.memory_space<hbm>>) dst(%arg6 : memref<80xi32, #tpu.memory_space<vmem>>)
      tpu.yield
    }) : () -> ()
    %dma_start3A_9 = arith.constant 0 : i32
    %dma_start3A_10 = arith.constant 0 : i32
    %dma_start3A_11 = tpu.memref_slice %arg3[%dma_start3A_9, %dma_start3A_10] : memref<100000x768xf32, #tpu.memory_space<hbm>> -> memref<100000x768xf32, #tpu.memory_space<hbm>>
    tpu.enqueue_indirect_dma source(%dma_start3A_11 : memref<100000x768xf32, #tpu.memory_space<hbm>>) target(%arg8 : memref<80x768xf32, #tpu.memory_space<vmem>>) offsets(%arg6 : memref<80xi32, #tpu.memory_space<vmem>>) semaphore(%arg10 : memref<!tpu.dma_semaphore, #tpu.memory_space<semaphore_mem>>)
    %scan3A = arith.constant 0 : i32
    %scan3A_12 = arith.constant 0 : i32
    %scan3A_13 = arith.constant 9 : i32
    %scan3A_14 = arith.addi %scan3A_12, %scan3A_13 : i32
    %scan3A_15 = arith.constant 1 : i32
    scf.for %scan3A_26 = %scan3A_12 to %scan3A_14 step %scan3A_15  : i32 {
      %mul3A_27 = arith.constant 2 : i32
      %mul3A_28 = arith.muli %mul3A_27, %scan3A_26 : i32
      %add3A_29 = arith.constant 0 : i32
      %add3A_30 = arith.addi %mul3A_28, %add3A_29 : i32
      %mul3A_31 = arith.constant 80 : i32
      %mul3A_32 = arith.muli %add3A_30, %mul3A_31 : i32
      %add3A_33 = arith.addi %mul3A_2, %mul3A_32 : i32
      %dma_wait3A_34 = arith.constant 0 : i32
      %dma_wait3A_35 = arith.constant 0 : i32
      %dma_wait3A_36 = tpu.memref_slice %arg3[%dma_wait3A_34, %dma_wait3A_35] : memref<100000x768xf32, #tpu.memory_space<hbm>> -> memref<100000x768xf32, #tpu.memory_space<hbm>>
      tpu.wait_indirect_dma semaphore(%arg9 : memref<!tpu.dma_semaphore, #tpu.memory_space<semaphore_mem>>) src(%dma_wait3A_36 : memref<100000x768xf32, #tpu.memory_space<hbm>>) dst(%arg7 : memref<80x768xf32, #tpu.memory_space<vmem>>)
      %dma_start3A_37 = arith.constant 0 : i32
      %dma_start3A_38 = tpu.memref_slice %arg4[%add3A_33, %dma_start3A_37] : memref<51200x768xf32, #tpu.memory_space<hbm>> -> memref<80x768xf32, #tpu.memory_space<hbm>>
      %dma_start3A_39 = arith.constant 0 : i32
      %dma_start3A_40 = tpu.memref_slice %arg4[%add3A_33, %dma_start3A_39] : memref<51200x768xf32, #tpu.memory_space<hbm>> -> memref<80x768xf32, #tpu.memory_space<hbm>>
      tpu.enqueue_dma source(%arg7 : memref<80x768xf32, #tpu.memory_space<vmem>>) target(%dma_start3A_40 : memref<80x768xf32, #tpu.memory_space<hbm>>) target_semaphore(%arg11 : memref<!tpu.dma_semaphore, #tpu.memory_space<semaphore_mem>>)
      %add3A_41 = arith.constant 160 : i32
      %add3A_42 = arith.addi %add3A_33, %add3A_41 : i32
      "tpu.region"() ({
        %run_scoped3A = tpu.sem_alloc : memref<!tpu.dma_semaphore, #tpu.memory_space<semaphore_mem>>
        %dma_start3A_73 = tpu.memref_slice %arg2[%add3A_42] : memref<51200xi32, #tpu.memory_space<hbm>> -> memref<80xi32, #tpu.memory_space<hbm>>
        %dma_start3A_74 = tpu.memref_slice %arg2[%add3A_42] : memref<51200xi32, #tpu.memory_space<hbm>> -> memref<80xi32, #tpu.memory_space<hbm>>
        tpu.enqueue_dma source(%dma_start3A_74 : memref<80xi32, #tpu.memory_space<hbm>>) target(%arg5 : memref<80xi32, #tpu.memory_space<vmem>>) target_semaphore(%run_scoped3A : memref<!tpu.dma_semaphore, #tpu.memory_space<semaphore_mem>>)
        %dma_wait3A_75 = tpu.memref_slice %arg2[%add3A_42] : memref<51200xi32, #tpu.memory_space<hbm>> -> memref<80xi32, #tpu.memory_space<hbm>>
        %dma_wait3A_76 = tpu.memref_slice %arg2[%add3A_42] : memref<51200xi32, #tpu.memory_space<hbm>> -> memref<80xi32, #tpu.memory_space<hbm>>
        tpu.wait_dma2 semaphore(%run_scoped3A : memref<!tpu.dma_semaphore, #tpu.memory_space<semaphore_mem>>) src(%dma_wait3A_76 : memref<80xi32, #tpu.memory_space<hbm>>) dst(%arg5 : memref<80xi32, #tpu.memory_space<vmem>>)
        tpu.yield
      }) : () -> ()
      %dma_wait3A_43 = arith.constant 0 : i32
      %dma_wait3A_44 = tpu.memref_slice %arg4[%add3A_33, %dma_wait3A_43] : memref<51200x768xf32, #tpu.memory_space<hbm>> -> memref<80x768xf32, #tpu.memory_space<hbm>>
      %dma_wait3A_45 = arith.constant 0 : i32
      %dma_wait3A_46 = tpu.memref_slice %arg4[%add3A_33, %dma_wait3A_45] : memref<51200x768xf32, #tpu.memory_space<hbm>> -> memref<80x768xf32, #tpu.memory_space<hbm>>
      tpu.wait_dma2 semaphore(%arg11 : memref<!tpu.dma_semaphore, #tpu.memory_space<semaphore_mem>>) src(%arg7 : memref<80x768xf32, #tpu.memory_space<vmem>>) dst(%dma_wait3A_46 : memref<80x768xf32, #tpu.memory_space<hbm>>)
      %dma_start3A_47 = arith.constant 0 : i32
      %dma_start3A_48 = arith.constant 0 : i32
      %dma_start3A_49 = tpu.memref_slice %arg3[%dma_start3A_47, %dma_start3A_48] : memref<100000x768xf32, #tpu.memory_space<hbm>> -> memref<100000x768xf32, #tpu.memory_space<hbm>>
      tpu.enqueue_indirect_dma source(%dma_start3A_49 : memref<100000x768xf32, #tpu.memory_space<hbm>>) target(%arg7 : memref<80x768xf32, #tpu.memory_space<vmem>>) offsets(%arg5 : memref<80xi32, #tpu.memory_space<vmem>>) semaphore(%arg9 : memref<!tpu.dma_semaphore, #tpu.memory_space<semaphore_mem>>)
      %mul3A_50 = arith.constant 2 : i32
      %mul3A_51 = arith.muli %mul3A_50, %scan3A_26 : i32
      %add3A_52 = arith.constant 1 : i32
      %add3A_53 = arith.addi %mul3A_51, %add3A_52 : i32
      %mul3A_54 = arith.constant 80 : i32
      %mul3A_55 = arith.muli %add3A_53, %mul3A_54 : i32
      %add3A_56 = arith.addi %mul3A_2, %mul3A_55 : i32
      %dma_wait3A_57 = arith.constant 0 : i32
      %dma_wait3A_58 = arith.constant 0 : i32
      %dma_wait3A_59 = tpu.memref_slice %arg3[%dma_wait3A_57, %dma_wait3A_58] : memref<100000x768xf32, #tpu.memory_space<hbm>> -> memref<100000x768xf32, #tpu.memory_space<hbm>>
      tpu.wait_indirect_dma semaphore(%arg10 : memref<!tpu.dma_semaphore, #tpu.memory_space<semaphore_mem>>) src(%dma_wait3A_59 : memref<100000x768xf32, #tpu.memory_space<hbm>>) dst(%arg8 : memref<80x768xf32, #tpu.memory_space<vmem>>)
      %dma_start3A_60 = arith.constant 0 : i32
      %dma_start3A_61 = tpu.memref_slice %arg4[%add3A_56, %dma_start3A_60] : memref<51200x768xf32, #tpu.memory_space<hbm>> -> memref<80x768xf32, #tpu.memory_space<hbm>>
      %dma_start3A_62 = arith.constant 0 : i32
      %dma_start3A_63 = tpu.memref_slice %arg4[%add3A_56, %dma_start3A_62] : memref<51200x768xf32, #tpu.memory_space<hbm>> -> memref<80x768xf32, #tpu.memory_space<hbm>>
      tpu.enqueue_dma source(%arg8 : memref<80x768xf32, #tpu.memory_space<vmem>>) target(%dma_start3A_63 : memref<80x768xf32, #tpu.memory_space<hbm>>) target_semaphore(%arg12 : memref<!tpu.dma_semaphore, #tpu.memory_space<semaphore_mem>>)
      %add3A_64 = arith.constant 160 : i32
      %add3A_65 = arith.addi %add3A_56, %add3A_64 : i32
      "tpu.region"() ({
        %run_scoped3A = tpu.sem_alloc : memref<!tpu.dma_semaphore, #tpu.memory_space<semaphore_mem>>
        %dma_start3A_73 = tpu.memref_slice %arg2[%add3A_65] : memref<51200xi32, #tpu.memory_space<hbm>> -> memref<80xi32, #tpu.memory_space<hbm>>
        %dma_start3A_74 = tpu.memref_slice %arg2[%add3A_65] : memref<51200xi32, #tpu.memory_space<hbm>> -> memref<80xi32, #tpu.memory_space<hbm>>
        tpu.enqueue_dma source(%dma_start3A_74 : memref<80xi32, #tpu.memory_space<hbm>>) target(%arg6 : memref<80xi32, #tpu.memory_space<vmem>>) target_semaphore(%run_scoped3A : memref<!tpu.dma_semaphore, #tpu.memory_space<semaphore_mem>>)
        %dma_wait3A_75 = tpu.memref_slice %arg2[%add3A_65] : memref<51200xi32, #tpu.memory_space<hbm>> -> memref<80xi32, #tpu.memory_space<hbm>>
        %dma_wait3A_76 = tpu.memref_slice %arg2[%add3A_65] : memref<51200xi32, #tpu.memory_space<hbm>> -> memref<80xi32, #tpu.memory_space<hbm>>
        tpu.wait_dma2 semaphore(%run_scoped3A : memref<!tpu.dma_semaphore, #tpu.memory_space<semaphore_mem>>) src(%dma_wait3A_76 : memref<80xi32, #tpu.memory_space<hbm>>) dst(%arg6 : memref<80xi32, #tpu.memory_space<vmem>>)
        tpu.yield
      }) : () -> ()
      %dma_wait3A_66 = arith.constant 0 : i32
      %dma_wait3A_67 = tpu.memref_slice %arg4[%add3A_56, %dma_wait3A_66] : memref<51200x768xf32, #tpu.memory_space<hbm>> -> memref<80x768xf32, #tpu.memory_space<hbm>>
      %dma_wait3A_68 = arith.constant 0 : i32
      %dma_wait3A_69 = tpu.memref_slice %arg4[%add3A_56, %dma_wait3A_68] : memref<51200x768xf32, #tpu.memory_space<hbm>> -> memref<80x768xf32, #tpu.memory_space<hbm>>
      tpu.wait_dma2 semaphore(%arg12 : memref<!tpu.dma_semaphore, #tpu.memory_space<semaphore_mem>>) src(%arg8 : memref<80x768xf32, #tpu.memory_space<vmem>>) dst(%dma_wait3A_69 : memref<80x768xf32, #tpu.memory_space<hbm>>)
      %dma_start3A_70 = arith.constant 0 : i32
      %dma_start3A_71 = arith.constant 0 : i32
      %dma_start3A_72 = tpu.memref_slice %arg3[%dma_start3A_70, %dma_start3A_71] : memref<100000x768xf32, #tpu.memory_space<hbm>> -> memref<100000x768xf32, #tpu.memory_space<hbm>>
      tpu.enqueue_indirect_dma source(%dma_start3A_72 : memref<100000x768xf32, #tpu.memory_space<hbm>>) target(%arg8 : memref<80x768xf32, #tpu.memory_space<vmem>>) offsets(%arg6 : memref<80xi32, #tpu.memory_space<vmem>>) semaphore(%arg10 : memref<!tpu.dma_semaphore, #tpu.memory_space<semaphore_mem>>)
    }
    %scan3A_16 = arith.constant 9 : i32
    %add3A_17 = arith.constant 1440 : i32
    %add3A_18 = arith.addi %mul3A_2, %add3A_17 : i32
    %dma_wait3A = arith.constant 0 : i32
    %dma_wait3A_19 = arith.constant 0 : i32
    %dma_wait3A_20 = tpu.memref_slice %arg3[%dma_wait3A, %dma_wait3A_19] : memref<100000x768xf32, #tpu.memory_space<hbm>> -> memref<100000x768xf32, #tpu.memory_space<hbm>>
    tpu.wait_indirect_dma semaphore(%arg9 : memref<!tpu.dma_semaphore, #tpu.memory_space<semaphore_mem>>) src(%dma_wait3A_20 : memref<100000x768xf32, #tpu.memory_space<hbm>>) dst(%arg7 : memref<80x768xf32, #tpu.memory_space<vmem>>)
    "tpu.region"() ({
      %run_scoped3A = tpu.sem_alloc : memref<!tpu.dma_semaphore, #tpu.memory_space<semaphore_mem>>
      %dma_start3A_26 = arith.constant 0 : i32
      %dma_start3A_27 = tpu.memref_slice %arg4[%add3A_18, %dma_start3A_26] : memref<51200x768xf32, #tpu.memory_space<hbm>> -> memref<80x768xf32, #tpu.memory_space<hbm>>
      %dma_start3A_28 = arith.constant 0 : i32
      %dma_start3A_29 = tpu.memref_slice %arg4[%add3A_18, %dma_start3A_28] : memref<51200x768xf32, #tpu.memory_space<hbm>> -> memref<80x768xf32, #tpu.memory_space<hbm>>
      tpu.enqueue_dma source(%arg7 : memref<80x768xf32, #tpu.memory_space<vmem>>) target(%dma_start3A_29 : memref<80x768xf32, #tpu.memory_space<hbm>>) target_semaphore(%run_scoped3A : memref<!tpu.dma_semaphore, #tpu.memory_space<semaphore_mem>>)
      %dma_wait3A_30 = arith.constant 0 : i32
      %dma_wait3A_31 = tpu.memref_slice %arg4[%add3A_18, %dma_wait3A_30] : memref<51200x768xf32, #tpu.memory_space<hbm>> -> memref<80x768xf32, #tpu.memory_space<hbm>>
      %dma_wait3A_32 = arith.constant 0 : i32
      %dma_wait3A_33 = tpu.memref_slice %arg4[%add3A_18, %dma_wait3A_32] : memref<51200x768xf32, #tpu.memory_space<hbm>> -> memref<80x768xf32, #tpu.memory_space<hbm>>
      tpu.wait_dma2 semaphore(%run_scoped3A : memref<!tpu.dma_semaphore, #tpu.memory_space<semaphore_mem>>) src(%arg7 : memref<80x768xf32, #tpu.memory_space<vmem>>) dst(%dma_wait3A_33 : memref<80x768xf32, #tpu.memory_space<hbm>>)
      tpu.yield
    }) : () -> ()
    %add3A_21 = arith.constant 1520 : i32
    %add3A_22 = arith.addi %mul3A_2, %add3A_21 : i32
    %dma_wait3A_23 = arith.constant 0 : i32
    %dma_wait3A_24 = arith.constant 0 : i32
    %dma_wait3A_25 = tpu.memref_slice %arg3[%dma_wait3A_23, %dma_wait3A_24] : memref<100000x768xf32, #tpu.memory_space<hbm>> -> memref<100000x768xf32, #tpu.memory_space<hbm>>
    tpu.wait_indirect_dma semaphore(%arg10 : memref<!tpu.dma_semaphore, #tpu.memory_space<semaphore_mem>>) src(%dma_wait3A_25 : memref<100000x768xf32, #tpu.memory_space<hbm>>) dst(%arg8 : memref<80x768xf32, #tpu.memory_space<vmem>>)
    "tpu.region"() ({
      %run_scoped3A = tpu.sem_alloc : memref<!tpu.dma_semaphore, #tpu.memory_space<semaphore_mem>>
      %dma_start3A_26 = arith.constant 0 : i32
      %dma_start3A_27 = tpu.memref_slice %arg4[%add3A_22, %dma_start3A_26] : memref<51200x768xf32, #tpu.memory_space<hbm>> -> memref<80x768xf32, #tpu.memory_space<hbm>>
      %dma_start3A_28 = arith.constant 0 : i32
      %dma_start3A_29 = tpu.memref_slice %arg4[%add3A_22, %dma_start3A_28] : memref<51200x768xf32, #tpu.memory_space<hbm>> -> memref<80x768xf32, #tpu.memory_space<hbm>>
      tpu.enqueue_dma source(%arg8 : memref<80x768xf32, #tpu.memory_space<vmem>>) target(%dma_start3A_29 : memref<80x768xf32, #tpu.memory_space<hbm>>) target_semaphore(%run_scoped3A : memref<!tpu.dma_semaphore, #tpu.memory_space<semaphore_mem>>)
      %dma_wait3A_30 = arith.constant 0 : i32
      %dma_wait3A_31 = tpu.memref_slice %arg4[%add3A_22, %dma_wait3A_30] : memref<51200x768xf32, #tpu.memory_space<hbm>> -> memref<80x768xf32, #tpu.memory_space<hbm>>
      %dma_wait3A_32 = arith.constant 0 : i32
      %dma_wait3A_33 = tpu.memref_slice %arg4[%add3A_22, %dma_wait3A_32] : memref<51200x768xf32, #tpu.memory_space<hbm>> -> memref<80x768xf32, #tpu.memory_space<hbm>>
      tpu.wait_dma2 semaphore(%run_scoped3A : memref<!tpu.dma_semaphore, #tpu.memory_space<semaphore_mem>>) src(%arg8 : memref<80x768xf32, #tpu.memory_space<vmem>>) dst(%dma_wait3A_33 : memref<80x768xf32, #tpu.memory_space<hbm>>)
      tpu.yield
    }) : () -> ()
    return
  }
}

#map = affine_map<(d0, d1) -> (0)>
#map1 = affine_map<(d0, d1) -> (0, 0)>
module attributes {stable_mosaic.version = 14 : i64} {
  func.func @gather_kernel(%arg0: i32, %arg1: i32, %arg2: memref<51200xi32, #tpu.memory_space<hbm>>, %arg3: memref<100000x768xf32, #tpu.memory_space<hbm>>, %arg4: memref<51200x768xf32, #tpu.memory_space<hbm>>, %arg5: memref<80xi32, #tpu.memory_space<vmem>>, %arg6: memref<80xi32, #tpu.memory_space<vmem>>, %arg7: memref<80x768xf32, #tpu.memory_space<vmem>>, %arg8: memref<80x768xf32, #tpu.memory_space<vmem>>, %arg9: memref<!tpu.dma_semaphore, #tpu.memory_space<semaphore_mem>>, %arg10: memref<!tpu.dma_semaphore, #tpu.memory_space<semaphore_mem>>, %arg11: memref<!tpu.dma_semaphore, #tpu.memory_space<semaphore_mem>>, %arg12: memref<!tpu.dma_semaphore, #tpu.memory_space<semaphore_mem>>) attributes {dimension_semantics = [#tpu.dimension_semantics<core_parallel>, #tpu.dimension_semantics<subcore_parallel>], iteration_bounds = array<i64: 2, 16>, scalar_prefetch = 0 : i64, scratch_operands = 8 : i64, tpu.core_type = #tpu.core_type<sc_vector_subcore>, window_params = [{transform_indices = #map}, {transform_indices = #map1}, {transform_indices = #map1}]} {
    %mul3A = arith.constant 2 : i32
    %mul3A_0 = arith.muli %arg1, %mul3A : i32
    %add3A = arith.addi %mul3A_0, %arg0 : i32
    %mul3A_1 = arith.constant 1600 : i32
    %mul3A_2 = arith.muli %add3A, %mul3A_1 : i32
    %add3A_3 = arith.constant 0 : i32
    %add3A_4 = arith.addi %mul3A_2, %add3A_3 : i32
    "tpu.region"() ({
      %run_scoped3A = tpu.sem_alloc : memref<!tpu.dma_semaphore, #tpu.memory_space<semaphore_mem>>
      %dma_start3A_26 = tpu.memref_slice %arg2[%add3A_4] : memref<51200xi32, #tpu.memory_space<hbm>> -> memref<80xi32, #tpu.memory_space<hbm>>
      %dma_start3A_27 = tpu.memref_slice %arg2[%add3A_4] : memref<51200xi32, #tpu.memory_space<hbm>> -> memref<80xi32, #tpu.memory_space<hbm>>
      tpu.enqueue_dma source(%dma_start3A_27 : memref<80xi32, #tpu.memory_space<hbm>>) target(%arg5 : memref<80xi32, #tpu.memory_space<vmem>>) target_semaphore(%run_scoped3A : memref<!tpu.dma_semaphore, #tpu.memory_space<semaphore_mem>>)
      %dma_wait3A_28 = tpu.memref_slice %arg2[%add3A_4] : memref<51200xi32, #tpu.memory_space<hbm>> -> memref<80xi32, #tpu.memory_space<hbm>>
      %dma_wait3A_29 = tpu.memref_slice %arg2[%add3A_4] : memref<51200xi32, #tpu.memory_space<hbm>> -> memref<80xi32, #tpu.memory_space<hbm>>
      tpu.wait_dma2 semaphore(%run_scoped3A : memref<!tpu.dma_semaphore, #tpu.memory_space<semaphore_mem>>) src(%dma_wait3A_29 : memref<80xi32, #tpu.memory_space<hbm>>) dst(%arg5 : memref<80xi32, #tpu.memory_space<vmem>>)
      tpu.yield
    }) : () -> ()
    %dma_start3A = arith.constant 0 : i32
    %dma_start3A_5 = arith.constant 0 : i32
    %dma_start3A_6 = tpu.memref_slice %arg3[%dma_start3A, %dma_start3A_5] : memref<100000x768xf32, #tpu.memory_space<hbm>> -> memref<100000x768xf32, #tpu.memory_space<hbm>>
    tpu.enqueue_indirect_dma source(%dma_start3A_6 : memref<100000x768xf32, #tpu.memory_space<hbm>>) target(%arg7 : memref<80x768xf32, #tpu.memory_space<vmem>>) offsets(%arg5 : memref<80xi32, #tpu.memory_space<vmem>>) semaphore(%arg9 : memref<!tpu.dma_semaphore, #tpu.memory_space<semaphore_mem>>)
    %add3A_7 = arith.constant 80 : i32
    %add3A_8 = arith.addi %mul3A_2, %add3A_7 : i32
    "tpu.region"() ({
      %run_scoped3A = tpu.sem_alloc : memref<!tpu.dma_semaphore, #tpu.memory_space<semaphore_mem>>
      %dma_start3A_26 = tpu.memref_slice %arg2[%add3A_8] : memref<51200xi32, #tpu.memory_space<hbm>> -> memref<80xi32, #tpu.memory_space<hbm>>
      %dma_start3A_27 = tpu.memref_slice %arg2[%add3A_8] : memref<51200xi32, #tpu.memory_space<hbm>> -> memref<80xi32, #tpu.memory_space<hbm>>
      tpu.enqueue_dma source(%dma_start3A_27 : memref<80xi32, #tpu.memory_space<hbm>>) target(%arg6 : memref<80xi32, #tpu.memory_space<vmem>>) target_semaphore(%run_scoped3A : memref<!tpu.dma_semaphore, #tpu.memory_space<semaphore_mem>>)
      %dma_wait3A_28 = tpu.memref_slice %arg2[%add3A_8] : memref<51200xi32, #tpu.memory_space<hbm>> -> memref<80xi32, #tpu.memory_space<hbm>>
      %dma_wait3A_29 = tpu.memref_slice %arg2[%add3A_8] : memref<51200xi32, #tpu.memory_space<hbm>> -> memref<80xi32, #tpu.memory_space<hbm>>
      tpu.wait_dma2 semaphore(%run_scoped3A : memref<!tpu.dma_semaphore, #tpu.memory_space<semaphore_mem>>) src(%dma_wait3A_29 : memref<80xi32, #tpu.memory_space<hbm>>) dst(%arg6 : memref<80xi32, #tpu.memory_space<vmem>>)
      tpu.yield
    }) : () -> ()
    %dma_start3A_9 = arith.constant 0 : i32
    %dma_start3A_10 = arith.constant 0 : i32
    %dma_start3A_11 = tpu.memref_slice %arg3[%dma_start3A_9, %dma_start3A_10] : memref<100000x768xf32, #tpu.memory_space<hbm>> -> memref<100000x768xf32, #tpu.memory_space<hbm>>
    tpu.enqueue_indirect_dma source(%dma_start3A_11 : memref<100000x768xf32, #tpu.memory_space<hbm>>) target(%arg8 : memref<80x768xf32, #tpu.memory_space<vmem>>) offsets(%arg6 : memref<80xi32, #tpu.memory_space<vmem>>) semaphore(%arg10 : memref<!tpu.dma_semaphore, #tpu.memory_space<semaphore_mem>>)
    %scan3A = arith.constant 0 : i32
    %scan3A_12 = arith.constant 0 : i32
    %scan3A_13 = arith.constant 9 : i32
    %scan3A_14 = arith.addi %scan3A_12, %scan3A_13 : i32
    %scan3A_15 = arith.constant 1 : i32
    scf.for %scan3A_26 = %scan3A_12 to %scan3A_14 step %scan3A_15  : i32 {
      %mul3A_27 = arith.constant 2 : i32
      %mul3A_28 = arith.muli %mul3A_27, %scan3A_26 : i32
      %add3A_29 = arith.constant 0 : i32
      %add3A_30 = arith.addi %mul3A_28, %add3A_29 : i32
      %mul3A_31 = arith.constant 80 : i32
      %mul3A_32 = arith.muli %add3A_30, %mul3A_31 : i32
      %add3A_33 = arith.addi %mul3A_2, %mul3A_32 : i32
      %dma_wait3A_34 = arith.constant 0 : i32
      %dma_wait3A_35 = arith.constant 0 : i32
      %dma_wait3A_36 = tpu.memref_slice %arg3[%dma_wait3A_34, %dma_wait3A_35] : memref<100000x768xf32, #tpu.memory_space<hbm>> -> memref<100000x768xf32, #tpu.memory_space<hbm>>
      tpu.wait_indirect_dma semaphore(%arg9 : memref<!tpu.dma_semaphore, #tpu.memory_space<semaphore_mem>>) src(%dma_wait3A_36 : memref<100000x768xf32, #tpu.memory_space<hbm>>) dst(%arg7 : memref<80x768xf32, #tpu.memory_space<vmem>>)
      %dma_start3A_37 = arith.constant 0 : i32
      %dma_start3A_38 = tpu.memref_slice %arg4[%add3A_33, %dma_start3A_37] : memref<51200x768xf32, #tpu.memory_space<hbm>> -> memref<80x768xf32, #tpu.memory_space<hbm>>
      %dma_start3A_39 = arith.constant 0 : i32
      %dma_start3A_40 = tpu.memref_slice %arg4[%add3A_33, %dma_start3A_39] : memref<51200x768xf32, #tpu.memory_space<hbm>> -> memref<80x768xf32, #tpu.memory_space<hbm>>
      tpu.enqueue_dma source(%arg7 : memref<80x768xf32, #tpu.memory_space<vmem>>) target(%dma_start3A_40 : memref<80x768xf32, #tpu.memory_space<hbm>>) target_semaphore(%arg11 : memref<!tpu.dma_semaphore, #tpu.memory_space<semaphore_mem>>)
      %add3A_41 = arith.constant 160 : i32
      %add3A_42 = arith.addi %add3A_33, %add3A_41 : i32
      "tpu.region"() ({
        %run_scoped3A = tpu.sem_alloc : memref<!tpu.dma_semaphore, #tpu.memory_space<semaphore_mem>>
        %dma_start3A_73 = tpu.memref_slice %arg2[%add3A_42] : memref<51200xi32, #tpu.memory_space<hbm>> -> memref<80xi32, #tpu.memory_space<hbm>>
        %dma_start3A_74 = tpu.memref_slice %arg2[%add3A_42] : memref<51200xi32, #tpu.memory_space<hbm>> -> memref<80xi32, #tpu.memory_space<hbm>>
        tpu.enqueue_dma source(%dma_start3A_74 : memref<80xi32, #tpu.memory_space<hbm>>) target(%arg5 : memref<80xi32, #tpu.memory_space<vmem>>) target_semaphore(%run_scoped3A : memref<!tpu.dma_semaphore, #tpu.memory_space<semaphore_mem>>)
        %dma_wait3A_75 = tpu.memref_slice %arg2[%add3A_42] : memref<51200xi32, #tpu.memory_space<hbm>> -> memref<80xi32, #tpu.memory_space<hbm>>
        %dma_wait3A_76 = tpu.memref_slice %arg2[%add3A_42] : memref<51200xi32, #tpu.memory_space<hbm>> -> memref<80xi32, #tpu.memory_space<hbm>>
        tpu.wait_dma2 semaphore(%run_scoped3A : memref<!tpu.dma_semaphore, #tpu.memory_space<semaphore_mem>>) src(%dma_wait3A_76 : memref<80xi32, #tpu.memory_space<hbm>>) dst(%arg5 : memref<80xi32, #tpu.memory_space<vmem>>)
        tpu.yield
      }) : () -> ()
      %dma_wait3A_43 = arith.constant 0 : i32
      %dma_wait3A_44 = tpu.memref_slice %arg4[%add3A_33, %dma_wait3A_43] : memref<51200x768xf32, #tpu.memory_space<hbm>> -> memref<80x768xf32, #tpu.memory_space<hbm>>
      %dma_wait3A_45 = arith.constant 0 : i32
      %dma_wait3A_46 = tpu.memref_slice %arg4[%add3A_33, %dma_wait3A_45] : memref<51200x768xf32, #tpu.memory_space<hbm>> -> memref<80x768xf32, #tpu.memory_space<hbm>>
      tpu.wait_dma2 semaphore(%arg11 : memref<!tpu.dma_semaphore, #tpu.memory_space<semaphore_mem>>) src(%arg7 : memref<80x768xf32, #tpu.memory_space<vmem>>) dst(%dma_wait3A_46 : memref<80x768xf32, #tpu.memory_space<hbm>>)
      %dma_start3A_47 = arith.constant 0 : i32
      %dma_start3A_48 = arith.constant 0 : i32
      %dma_start3A_49 = tpu.memref_slice %arg3[%dma_start3A_47, %dma_start3A_48] : memref<100000x768xf32, #tpu.memory_space<hbm>> -> memref<100000x768xf32, #tpu.memory_space<hbm>>
      tpu.enqueue_indirect_dma source(%dma_start3A_49 : memref<100000x768xf32, #tpu.memory_space<hbm>>) target(%arg7 : memref<80x768xf32, #tpu.memory_space<vmem>>) offsets(%arg5 : memref<80xi32, #tpu.memory_space<vmem>>) semaphore(%arg9 : memref<!tpu.dma_semaphore, #tpu.memory_space<semaphore_mem>>)
      %mul3A_50 = arith.constant 2 : i32
      %mul3A_51 = arith.muli %mul3A_50, %scan3A_26 : i32
      %add3A_52 = arith.constant 1 : i32
      %add3A_53 = arith.addi %mul3A_51, %add3A_52 : i32
      %mul3A_54 = arith.constant 80 : i32
      %mul3A_55 = arith.muli %add3A_53, %mul3A_54 : i32
      %add3A_56 = arith.addi %mul3A_2, %mul3A_55 : i32
      %dma_wait3A_57 = arith.constant 0 : i32
      %dma_wait3A_58 = arith.constant 0 : i32
      %dma_wait3A_59 = tpu.memref_slice %arg3[%dma_wait3A_57, %dma_wait3A_58] : memref<100000x768xf32, #tpu.memory_space<hbm>> -> memref<100000x768xf32, #tpu.memory_space<hbm>>
      tpu.wait_indirect_dma semaphore(%arg10 : memref<!tpu.dma_semaphore, #tpu.memory_space<semaphore_mem>>) src(%dma_wait3A_59 : memref<100000x768xf32, #tpu.memory_space<hbm>>) dst(%arg8 : memref<80x768xf32, #tpu.memory_space<vmem>>)
      %dma_start3A_60 = arith.constant 0 : i32
      %dma_start3A_61 = tpu.memref_slice %arg4[%add3A_56, %dma_start3A_60] : memref<51200x768xf32, #tpu.memory_space<hbm>> -> memref<80x768xf32, #tpu.memory_space<hbm>>
      %dma_start3A_62 = arith.constant 0 : i32
      %dma_start3A_63 = tpu.memref_slice %arg4[%add3A_56, %dma_start3A_62] : memref<51200x768xf32, #tpu.memory_space<hbm>> -> memref<80x768xf32, #tpu.memory_space<hbm>>
      tpu.enqueue_dma source(%arg8 : memref<80x768xf32, #tpu.memory_space<vmem>>) target(%dma_start3A_63 : memref<80x768xf32, #tpu.memory_space<hbm>>) target_semaphore(%arg12 : memref<!tpu.dma_semaphore, #tpu.memory_space<semaphore_mem>>)
      %add3A_64 = arith.constant 160 : i32
      %add3A_65 = arith.addi %add3A_56, %add3A_64 : i32
      "tpu.region"() ({
        %run_scoped3A = tpu.sem_alloc : memref<!tpu.dma_semaphore, #tpu.memory_space<semaphore_mem>>
        %dma_start3A_73 = tpu.memref_slice %arg2[%add3A_65] : memref<51200xi32, #tpu.memory_space<hbm>> -> memref<80xi32, #tpu.memory_space<hbm>>
        %dma_start3A_74 = tpu.memref_slice %arg2[%add3A_65] : memref<51200xi32, #tpu.memory_space<hbm>> -> memref<80xi32, #tpu.memory_space<hbm>>
        tpu.enqueue_dma source(%dma_start3A_74 : memref<80xi32, #tpu.memory_space<hbm>>) target(%arg6 : memref<80xi32, #tpu.memory_space<vmem>>) target_semaphore(%run_scoped3A : memref<!tpu.dma_semaphore, #tpu.memory_space<semaphore_mem>>)
        %dma_wait3A_75 = tpu.memref_slice %arg2[%add3A_65] : memref<51200xi32, #tpu.memory_space<hbm>> -> memref<80xi32, #tpu.memory_space<hbm>>
        %dma_wait3A_76 = tpu.memref_slice %arg2[%add3A_65] : memref<51200xi32, #tpu.memory_space<hbm>> -> memref<80xi32, #tpu.memory_space<hbm>>
        tpu.wait_dma2 semaphore(%run_scoped3A : memref<!tpu.dma_semaphore, #tpu.memory_space<semaphore_mem>>) src(%dma_wait3A_76 : memref<80xi32, #tpu.memory_space<hbm>>) dst(%arg6 : memref<80xi32, #tpu.memory_space<vmem>>)
        tpu.yield
      }) : () -> ()
      %dma_wait3A_66 = arith.constant 0 : i32
      %dma_wait3A_67 = tpu.memref_slice %arg4[%add3A_56, %dma_wait3A_66] : memref<51200x768xf32, #tpu.memory_space<hbm>> -> memref<80x768xf32, #tpu.memory_space<hbm>>
      %dma_wait3A_68 = arith.constant 0 : i32
      %dma_wait3A_69 = tpu.memref_slice %arg4[%add3A_56, %dma_wait3A_68] : memref<51200x768xf32, #tpu.memory_space<hbm>> -> memref<80x768xf32, #tpu.memory_space<hbm>>
      tpu.wait_dma2 semaphore(%arg12 : memref<!tpu.dma_semaphore, #tpu.memory_space<semaphore_mem>>) src(%arg8 : memref<80x768xf32, #tpu.memory_space<vmem>>) dst(%dma_wait3A_69 : memref<80x768xf32, #tpu.memory_space<hbm>>)
      %dma_start3A_70 = arith.constant 0 : i32
      %dma_start3A_71 = arith.constant 0 : i32
      %dma_start3A_72 = tpu.memref_slice %arg3[%dma_start3A_70, %dma_start3A_71] : memref<100000x768xf32, #tpu.memory_space<hbm>> -> memref<100000x768xf32, #tpu.memory_space<hbm>>
      tpu.enqueue_indirect_dma source(%dma_start3A_72 : memref<100000x768xf32, #tpu.memory_space<hbm>>) target(%arg8 : memref<80x768xf32, #tpu.memory_space<vmem>>) offsets(%arg6 : memref<80xi32, #tpu.memory_space<vmem>>) semaphore(%arg10 : memref<!tpu.dma_semaphore, #tpu.memory_space<semaphore_mem>>)
    }
    %scan3A_16 = arith.constant 9 : i32
    %add3A_17 = arith.constant 1440 : i32
    %add3A_18 = arith.addi %mul3A_2, %add3A_17 : i32
    %dma_wait3A = arith.constant 0 : i32
    %dma_wait3A_19 = arith.constant 0 : i32
    %dma_wait3A_20 = tpu.memref_slice %arg3[%dma_wait3A, %dma_wait3A_19] : memref<100000x768xf32, #tpu.memory_space<hbm>> -> memref<100000x768xf32, #tpu.memory_space<hbm>>
    tpu.wait_indirect_dma semaphore(%arg9 : memref<!tpu.dma_semaphore, #tpu.memory_space<semaphore_mem>>) src(%dma_wait3A_20 : memref<100000x768xf32, #tpu.memory_space<hbm>>) dst(%arg7 : memref<80x768xf32, #tpu.memory_space<vmem>>)
    "tpu.region"() ({
      %run_scoped3A = tpu.sem_alloc : memref<!tpu.dma_semaphore, #tpu.memory_space<semaphore_mem>>
      %dma_start3A_26 = arith.constant 0 : i32
      %dma_start3A_27 = tpu.memref_slice %arg4[%add3A_18, %dma_start3A_26] : memref<51200x768xf32, #tpu.memory_space<hbm>> -> memref<80x768xf32, #tpu.memory_space<hbm>>
      %dma_start3A_28 = arith.constant 0 : i32
      %dma_start3A_29 = tpu.memref_slice %arg4[%add3A_18, %dma_start3A_28] : memref<51200x768xf32, #tpu.memory_space<hbm>> -> memref<80x768xf32, #tpu.memory_space<hbm>>
      tpu.enqueue_dma source(%arg7 : memref<80x768xf32, #tpu.memory_space<vmem>>) target(%dma_start3A_29 : memref<80x768xf32, #tpu.memory_space<hbm>>) target_semaphore(%run_scoped3A : memref<!tpu.dma_semaphore, #tpu.memory_space<semaphore_mem>>)
      %dma_wait3A_30 = arith.constant 0 : i32
      %dma_wait3A_31 = tpu.memref_slice %arg4[%add3A_18, %dma_wait3A_30] : memref<51200x768xf32, #tpu.memory_space<hbm>> -> memref<80x768xf32, #tpu.memory_space<hbm>>
      %dma_wait3A_32 = arith.constant 0 : i32
      %dma_wait3A_33 = tpu.memref_slice %arg4[%add3A_18, %dma_wait3A_32] : memref<51200x768xf32, #tpu.memory_space<hbm>> -> memref<80x768xf32, #tpu.memory_space<hbm>>
      tpu.wait_dma2 semaphore(%run_scoped3A : memref<!tpu.dma_semaphore, #tpu.memory_space<semaphore_mem>>) src(%arg7 : memref<80x768xf32, #tpu.memory_space<vmem>>) dst(%dma_wait3A_33 : memref<80x768xf32, #tpu.memory_space<hbm>>)
      tpu.yield
    }) : () -> ()
    %add3A_21 = arith.constant 1520 : i32
    %add3A_22 = arith.addi %mul3A_2, %add3A_21 : i32
    %dma_wait3A_23 = arith.constant 0 : i32
    %dma_wait3A_24 = arith.constant 0 : i32
    %dma_wait3A_25 = tpu.memref_slice %arg3[%dma_wait3A_23, %dma_wait3A_24] : memref<100000x768xf32, #tpu.memory_space<hbm>> -> memref<100000x768xf32, #tpu.memory_space<hbm>>
    tpu.wait_indirect_dma semaphore(%arg10 : memref<!tpu.dma_semaphore, #tpu.memory_space<semaphore_mem>>) src(%dma_wait3A_25 : memref<100000x768xf32, #tpu.memory_space<hbm>>) dst(%arg8 : memref<80x768xf32, #tpu.memory_space<vmem>>)
    "tpu.region"() ({
      %run_scoped3A = tpu.sem_alloc : memref<!tpu.dma_semaphore, #tpu.memory_space<semaphore_mem>>
      %dma_start3A_26 = arith.constant 0 : i32
      %dma_start3A_27 = tpu.memref_slice %arg4[%add3A_22, %dma_start3A_26] : memref<51200x768xf32, #tpu.memory_space<hbm>> -> memref<80x768xf32, #tpu.memory_space<hbm>>
      %dma_start3A_28 = arith.constant 0 : i32
      %dma_start3A_29 = tpu.memref_slice %arg4[%add3A_22, %dma_start3A_28] : memref<51200x768xf32, #tpu.memory_space<hbm>> -> memref<80x768xf32, #tpu.memory_space<hbm>>
      tpu.enqueue_dma source(%arg8 : memref<80x768xf32, #tpu.memory_space<vmem>>) target(%dma_start3A_29 : memref<80x768xf32, #tpu.memory_space<hbm>>) target_semaphore(%run_scoped3A : memref<!tpu.dma_semaphore, #tpu.memory_space<semaphore_mem>>)
      %dma_wait3A_30 = arith.constant 0 : i32
      %dma_wait3A_31 = tpu.memref_slice %arg4[%add3A_22, %dma_wait3A_30] : memref<51200x768xf32, #tpu.memory_space<hbm>> -> memref<80x768xf32, #tpu.memory_space<hbm>>
      %dma_wait3A_32 = arith.constant 0 : i32
      %dma_wait3A_33 = tpu.memref_slice %arg4[%add3A_22, %dma_wait3A_32] : memref<51200x768xf32, #tpu.memory_space<hbm>> -> memref<80x768xf32, #tpu.memory_space<hbm>>
      tpu.wait_dma2 semaphore(%run_scoped3A : memref<!tpu.dma_semaphore, #tpu.memory_space<semaphore_mem>>) src(%arg8 : memref<80x768xf32, #tpu.memory_space<vmem>>) dst(%dma_wait3A_33 : memref<80x768xf32, #tpu.memory_space<hbm>>)
      tpu.yield
    }) : () -> ()
    return
  }
}

module attributes {stable_mosaic.version = 14 : i64} {
  func.func @body(%arg0: i32, %arg1: memref<100x16x768xf32, #tpu.memory_space<vmem>>, %arg2: memref<50x16x1024xbf16, #tpu.memory_space<vmem>>, %arg3: memref<50x16x1xf32, #tpu.memory_space<vmem>>, %arg4: memref<50x1x768xf32, #tpu.memory_space<vmem>>, %arg5: memref<2x768xf32, #tpu.memory_space<vmem>>, %arg6: memref<1024x768xf32, #tpu.memory_space<vmem>>, %arg7: memref<1x768xf32, #tpu.memory_space<vmem>>, %arg8: memref<1x768xf32, #tpu.memory_space<vmem>>, %arg9: memref<1x768xf32, #tpu.memory_space<vmem>>, %arg10: memref<100x1024x768xf32, #tpu.memory_space<any>>, %arg11: memref<100x16x768xf32, #tpu.memory_space<vmem>>) attributes {dimension_semantics = [#tpu.dimension_semantics<parallel>], iteration_bounds = array<i64: 32>, scalar_prefetch = 0 : i64, scratch_operands = 0 : i64, tpu.core_type = #tpu.core_type<tc>, window_params = [{transform_indices = @transform_0, window_bounds = array<i64: 100, 16, 768>}, {transform_indices = @transform_1, window_bounds = array<i64: 50, 16, 1024>}, {transform_indices = @transform_2, window_bounds = array<i64: 50, 16, 1>}, {pipeline_mode = #tpu.pipeline_mode<synchronous>, transform_indices = @transform_3, window_bounds = array<i64: 50, 1, 768>}, {pipeline_mode = #tpu.pipeline_mode<synchronous>, transform_indices = @transform_4, window_bounds = array<i64: 2, 768>}, {pipeline_mode = #tpu.pipeline_mode<synchronous>, transform_indices = @transform_5, window_bounds = array<i64: 1024, 768>}, {pipeline_mode = #tpu.pipeline_mode<synchronous>, transform_indices = @transform_6, window_bounds = array<i64: 1, 768>}, {pipeline_mode = #tpu.pipeline_mode<synchronous>, transform_indices = @transform_7, window_bounds = array<i64: 1, 768>}, {pipeline_mode = #tpu.pipeline_mode<synchronous>, transform_indices = @transform_8, window_bounds = array<i64: 1, 768>}, {}, {transform_indices = @transform_10, window_bounds = array<i64: 100, 16, 768>}]} {
    %get3A = arith.constant 0 : index
    %get3A_0 = arith.constant 0 : index
    %get3A_1 = vector.load %arg8[%get3A, %get3A_0] : memref<1x768xf32, #tpu.memory_space<vmem>>, vector<1x768xf32>
    %reshape3A = vector.shape_cast %get3A_1 : vector<1x768xf32> to vector<1x1x768xf32>
    %get3A_2 = arith.constant 0 : index
    %get3A_3 = arith.constant 0 : index
    %get3A_4 = vector.load %arg9[%get3A_2, %get3A_3] : memref<1x768xf32, #tpu.memory_space<vmem>>, vector<1x768xf32>
    %reshape3A_5 = vector.shape_cast %get3A_4 : vector<1x768xf32> to vector<1x1x768xf32>
    %get3A_6 = arith.constant 0 : index
    %get3A_7 = arith.constant 0 : index
    %get3A_8 = vector.load %arg5[%get3A_6, %get3A_7] : memref<2x768xf32, #tpu.memory_space<vmem>>, vector<1x768xf32>
    %reshape3A_9 = vector.shape_cast %get3A_8 : vector<1x768xf32> to vector<1x1x768xf32>
    %get3A_10 = arith.constant 1 : index
    %get3A_11 = arith.constant 0 : index
    %get3A_12 = vector.load %arg5[%get3A_10, %get3A_11] : memref<2x768xf32, #tpu.memory_space<vmem>>, vector<1x768xf32>
    %get3A_13 = arith.constant 0 : index
    %get3A_14 = arith.constant 0 : index
    %get3A_15 = vector.load %arg5[%get3A_13, %get3A_14] : memref<2x768xf32, #tpu.memory_space<vmem>>, vector<1x768xf32>
    %sub3A = arith.subf %get3A_12, %get3A_15 : vector<1x768xf32>
    %reshape3A_16 = vector.shape_cast %sub3A : vector<1x768xf32> to vector<1x1x768xf32>
    %get3A_17 = arith.constant 0 : index
    %get3A_18 = arith.constant 0 : index
    %get3A_19 = arith.constant 0 : index
    %get3A_20 = vector.load %arg1[%get3A_17, %get3A_18, %get3A_19] : memref<100x16x768xf32, #tpu.memory_space<vmem>>, vector<50x16x768xf32>
    %get3A_21 = arith.constant 0 : index
    %get3A_22 = arith.constant 0 : index
    %get3A_23 = arith.constant 0 : index
    %get3A_24 = vector.load %arg4[%get3A_21, %get3A_22, %get3A_23] : memref<50x1x768xf32, #tpu.memory_space<vmem>>, vector<50x1x768xf32>
    %add3A = vector.broadcast %get3A_24 : vector<50x1x768xf32> to vector<50x16x768xf32>
    %add3A_25 = arith.addf %get3A_20, %add3A : vector<50x16x768xf32>
    %add3A_26 = vector.broadcast %reshape3A_9 : vector<1x1x768xf32> to vector<50x16x768xf32>
    %add3A_27 = arith.addf %add3A_25, %add3A_26 : vector<50x16x768xf32>
    %get3A_28 = arith.constant 0 : index
    %get3A_29 = arith.constant 0 : index
    %get3A_30 = arith.constant 0 : index
    %get3A_31 = vector.load %arg3[%get3A_28, %get3A_29, %get3A_30] : memref<50x16x1xf32, #tpu.memory_space<vmem>>, vector<50x16x1xf32>
    %mul3A = vector.broadcast %get3A_31 : vector<50x16x1xf32> to vector<50x16x768xf32>
    %mul3A_32 = vector.broadcast %reshape3A_16 : vector<1x1x768xf32> to vector<50x16x768xf32>
    %mul3A_33 = arith.mulf %mul3A, %mul3A_32 : vector<50x16x768xf32>
    %add3A_34 = arith.addf %add3A_27, %mul3A_33 : vector<50x16x768xf32>
    %reduce_sum3A = arith.constant dense<0.000000e+00> : vector<50x16xf32>
    %reduce_sum3A_35 = vector.multi_reduction <add>, %add3A_34, %reduce_sum3A [2] : vector<50x16x768xf32> to vector<50x16xf32>
    %broadcast_in_dim3A = vector.shape_cast %reduce_sum3A_35 : vector<50x16xf32> to vector<50x16x1xf32>
    %div3A = arith.constant 7.680000e+02 : f32
    %div3A_36 = vector.broadcast %div3A : f32 to vector<50x16x1xf32>
    %div3A_37 = arith.divf %broadcast_in_dim3A, %div3A_36 : vector<50x16x1xf32>
    %sub3A_38 = vector.broadcast %div3A_37 : vector<50x16x1xf32> to vector<50x16x768xf32>
    %sub3A_39 = arith.subf %add3A_34, %sub3A_38 : vector<50x16x768xf32>
    %mul3A_40 = arith.mulf %sub3A_39, %sub3A_39 : vector<50x16x768xf32>
    %reduce_sum3A_41 = arith.constant dense<0.000000e+00> : vector<50x16xf32>
    %reduce_sum3A_42 = vector.multi_reduction <add>, %mul3A_40, %reduce_sum3A_41 [2] : vector<50x16x768xf32> to vector<50x16xf32>
    %broadcast_in_dim3A_43 = vector.shape_cast %reduce_sum3A_42 : vector<50x16xf32> to vector<50x16x1xf32>
    %div3A_44 = arith.constant 7.680000e+02 : f32
    %div3A_45 = vector.broadcast %div3A_44 : f32 to vector<50x16x1xf32>
    %div3A_46 = arith.divf %broadcast_in_dim3A_43, %div3A_45 : vector<50x16x1xf32>
    %add3A_47 = arith.constant 9.99999996E-13 : f32
    %add3A_48 = vector.broadcast %add3A_47 : f32 to vector<50x16x1xf32>
    %add3A_49 = arith.addf %div3A_46, %add3A_48 : vector<50x16x1xf32>
    %rsqrt3A = math.rsqrt %add3A_49 : vector<50x16x1xf32>
    %mul3A_50 = vector.broadcast %rsqrt3A : vector<50x16x1xf32> to vector<50x16x768xf32>
    %mul3A_51 = arith.mulf %sub3A_39, %mul3A_50 : vector<50x16x768xf32>
    %mul3A_52 = vector.broadcast %reshape3A : vector<1x1x768xf32> to vector<50x16x768xf32>
    %mul3A_53 = arith.mulf %mul3A_51, %mul3A_52 : vector<50x16x768xf32>
    %add3A_54 = vector.broadcast %reshape3A_5 : vector<1x1x768xf32> to vector<50x16x768xf32>
    %add3A_55 = arith.addf %mul3A_53, %add3A_54 : vector<50x16x768xf32>
    %swap3A = arith.constant 0 : index
    %swap3A_56 = arith.constant 0 : index
    %swap3A_57 = arith.constant 0 : index
    %swap3A_58 = vector.load %arg11[%swap3A, %swap3A_56, %swap3A_57] : memref<100x16x768xf32, #tpu.memory_space<vmem>>, vector<50x16x768xf32>
    tpu.vector_store %arg11[%swap3A, %swap3A_56, %swap3A_57], %add3A_55 {strides = array<i32>} : memref<100x16x768xf32, #tpu.memory_space<vmem>>, vector<50x16x768xf32>,
    %get3A_59 = arith.constant 0 : index
    %get3A_60 = arith.constant 0 : index
    %get3A_61 = arith.constant 0 : index
    %get3A_62 = vector.load %arg2[%get3A_59, %get3A_60, %get3A_61] : memref<50x16x1024xbf16, #tpu.memory_space<vmem>>, vector<50x16x1024xbf16>
    %reshape3A_63 = vector.shape_cast %get3A_62 : vector<50x16x1024xbf16> to vector<800x1024xbf16>
    %get3A_64 = arith.constant 0 : index
    %get3A_65 = arith.constant 0 : index
    %get3A_66 = vector.load %arg6[%get3A_64, %get3A_65] : memref<1024x768xf32, #tpu.memory_space<vmem>>, vector<1024x768xf32>
    %convert_element_type3A = arith.truncf %get3A_66 : vector<1024x768xf32> to vector<1024x768xbf16>
    %dot_general3A = arith.constant dense<0.000000e+00> : vector<800x768xf32>
    %dot_general3A_67 = tpu.matmul %reshape3A_63, %convert_element_type3A, %dot_general3A {dimension_numbers = #tpu.dot_dimension_numbers<[1], [0], [0], [1], [0, 0, 1, 1], [], []>, transpose_lhs_hint = false} : vector<800x1024xbf16>, vector<1024x768xbf16>, vector<800x768xf32> -> vector<800x768xf32>
    %get3A_68 = arith.constant 50 : index
    %get3A_69 = arith.constant 0 : index
    %get3A_70 = arith.constant 0 : index
    %get3A_71 = vector.load %arg1[%get3A_68, %get3A_69, %get3A_70] : memref<100x16x768xf32, #tpu.memory_space<vmem>>, vector<50x16x768xf32>
    %reshape3A_72 = vector.shape_cast %dot_general3A_67 : vector<800x768xf32> to vector<50x16x768xf32>
    %add3A_73 = arith.addf %get3A_71, %reshape3A_72 : vector<50x16x768xf32>
    %get3A_74 = arith.constant 0 : index
    %get3A_75 = arith.constant 0 : index
    %get3A_76 = vector.load %arg7[%get3A_74, %get3A_75] : memref<1x768xf32, #tpu.memory_space<vmem>>, vector<1x768xf32>
    %reshape3A_77 = vector.shape_cast %get3A_76 : vector<1x768xf32> to vector<1x1x768xf32>
    %add3A_78 = vector.broadcast %reshape3A_77 : vector<1x1x768xf32> to vector<50x16x768xf32>
    %add3A_79 = arith.addf %add3A_73, %add3A_78 : vector<50x16x768xf32>
    %reduce_sum3A_80 = arith.constant dense<0.000000e+00> : vector<50x16xf32>
    %reduce_sum3A_81 = vector.multi_reduction <add>, %add3A_79, %reduce_sum3A_80 [2] : vector<50x16x768xf32> to vector<50x16xf32>
    %broadcast_in_dim3A_82 = vector.shape_cast %reduce_sum3A_81 : vector<50x16xf32> to vector<50x16x1xf32>
    %div3A_83 = arith.constant 7.680000e+02 : f32
    %div3A_84 = vector.broadcast %div3A_83 : f32 to vector<50x16x1xf32>
    %div3A_85 = arith.divf %broadcast_in_dim3A_82, %div3A_84 : vector<50x16x1xf32>
    %sub3A_86 = vector.broadcast %div3A_85 : vector<50x16x1xf32> to vector<50x16x768xf32>
    %sub3A_87 = arith.subf %add3A_79, %sub3A_86 : vector<50x16x768xf32>
    %mul3A_88 = arith.mulf %sub3A_87, %sub3A_87 : vector<50x16x768xf32>
    %reduce_sum3A_89 = arith.constant dense<0.000000e+00> : vector<50x16xf32>
    %reduce_sum3A_90 = vector.multi_reduction <add>, %mul3A_88, %reduce_sum3A_89 [2] : vector<50x16x768xf32> to vector<50x16xf32>
    %broadcast_in_dim3A_91 = vector.shape_cast %reduce_sum3A_90 : vector<50x16xf32> to vector<50x16x1xf32>
    %div3A_92 = arith.constant 7.680000e+02 : f32
    %div3A_93 = vector.broadcast %div3A_92 : f32 to vector<50x16x1xf32>
    %div3A_94 = arith.divf %broadcast_in_dim3A_91, %div3A_93 : vector<50x16x1xf32>
    %add3A_95 = arith.constant 9.99999996E-13 : f32
    %add3A_96 = vector.broadcast %add3A_95 : f32 to vector<50x16x1xf32>
    %add3A_97 = arith.addf %div3A_94, %add3A_96 : vector<50x16x1xf32>
    %rsqrt3A_98 = math.rsqrt %add3A_97 : vector<50x16x1xf32>
    %mul3A_99 = vector.broadcast %rsqrt3A_98 : vector<50x16x1xf32> to vector<50x16x768xf32>
    %mul3A_100 = arith.mulf %sub3A_87, %mul3A_99 : vector<50x16x768xf32>
    %mul3A_101 = vector.broadcast %reshape3A : vector<1x1x768xf32> to vector<50x16x768xf32>
    %mul3A_102 = arith.mulf %mul3A_100, %mul3A_101 : vector<50x16x768xf32>
    %add3A_103 = vector.broadcast %reshape3A_5 : vector<1x1x768xf32> to vector<50x16x768xf32>
    %add3A_104 = arith.addf %mul3A_102, %add3A_103 : vector<50x16x768xf32>
    %swap3A_105 = arith.constant 50 : index
    %swap3A_106 = arith.constant 0 : index
    %swap3A_107 = arith.constant 0 : index
    %swap3A_108 = vector.load %arg11[%swap3A_105, %swap3A_106, %swap3A_107] : memref<100x16x768xf32, #tpu.memory_space<vmem>>, vector<50x16x768xf32>
    tpu.vector_store %arg11[%swap3A_105, %swap3A_106, %swap3A_107], %add3A_104 {strides = array<i32>} : memref<100x16x768xf32, #tpu.memory_space<vmem>>, vector<50x16x768xf32>,
    return
  }
  func.func @transform_0(%arg0: i32) -> (i32, i32, i32) {
    %c0_i32 = arith.constant 0 : i32
    %c0_i32_0 = arith.constant 0 : i32
    %c0_i32_1 = arith.constant 0 : i32
    return %c0_i32, %arg0, %c0_i32_0 : i32, i32, i32
  }
  func.func @transform_1(%arg0: i32) -> (i32, i32, i32) {
    %add3A = arith.constant 32 : i32
    %add3A_0 = arith.addi %arg0, %add3A : i32
    %c0_i32 = arith.constant 0 : i32
    %c0_i32_1 = arith.constant 0 : i32
    %c0_i32_2 = arith.constant 0 : i32
    return %c0_i32, %add3A_0, %c0_i32_1 : i32, i32, i32
  }
  func.func @transform_2(%arg0: i32) -> (i32, i32, i32) {
    %add3A = arith.constant 32 : i32
    %add3A_0 = arith.addi %arg0, %add3A : i32
    %c0_i32 = arith.constant 0 : i32
    %c0_i32_1 = arith.constant 0 : i32
    %c0_i32_2 = arith.constant 0 : i32
    return %c0_i32, %add3A_0, %c0_i32_1 : i32, i32, i32
  }
  func.func @transform_3(%arg0: i32) -> (i32, i32, i32) {
    %c0_i32 = arith.constant 0 : i32
    %c0_i32_0 = arith.constant 0 : i32
    %c0_i32_1 = arith.constant 0 : i32
    %c0_i32_2 = arith.constant 0 : i32
    return %c0_i32, %c0_i32_0, %c0_i32_1 : i32, i32, i32
  }
  func.func @transform_4(%arg0: i32) -> (i32, i32) {
    %c0_i32 = arith.constant 0 : i32
    %c0_i32_0 = arith.constant 0 : i32
    %c0_i32_1 = arith.constant 0 : i32
    return %c0_i32, %c0_i32_0 : i32, i32
  }
  func.func @transform_5(%arg0: i32) -> (i32, i32) {
    %c0_i32 = arith.constant 0 : i32
    %c0_i32_0 = arith.constant 0 : i32
    %c0_i32_1 = arith.constant 0 : i32
    return %c0_i32, %c0_i32_0 : i32, i32
  }
  func.func @transform_6(%arg0: i32) -> (i32, i32) {
    %c0_i32 = arith.constant 0 : i32
    %c0_i32_0 = arith.constant 0 : i32
    %c0_i32_1 = arith.constant 0 : i32
    return %c0_i32, %c0_i32_0 : i32, i32
  }
  func.func @transform_7(%arg0: i32) -> (i32, i32) {
    %c0_i32 = arith.constant 0 : i32
    %c0_i32_0 = arith.constant 0 : i32
    %c0_i32_1 = arith.constant 0 : i32
    return %c0_i32, %c0_i32_0 : i32, i32
  }
  func.func @transform_8(%arg0: i32) -> (i32, i32) {
    %c0_i32 = arith.constant 0 : i32
    %c0_i32_0 = arith.constant 0 : i32
    %c0_i32_1 = arith.constant 0 : i32
    return %c0_i32, %c0_i32_0 : i32, i32
  }
  func.func @transform_10(%arg0: i32) -> (i32, i32, i32) {
    %add3A = arith.constant 32 : i32
    %add3A_0 = arith.addi %arg0, %add3A : i32
    %c0_i32 = arith.constant 0 : i32
    %c0_i32_1 = arith.constant 0 : i32
    %c0_i32_2 = arith.constant 0 : i32
    return %c0_i32, %add3A_0, %c0_i32_1 : i32, i32, i32
  }
}

module attributes {stable_mosaic.version = 14 : i64} {
  func.func @body(%arg0: i32, %arg1: memref<100x16x768xf32, #tpu.memory_space<vmem>>, %arg2: memref<50x16x1024xbf16, #tpu.memory_space<vmem>>, %arg3: memref<50x16x1xf32, #tpu.memory_space<vmem>>, %arg4: memref<50x1x768xf32, #tpu.memory_space<vmem>>, %arg5: memref<2x768xf32, #tpu.memory_space<vmem>>, %arg6: memref<1024x768xf32, #tpu.memory_space<vmem>>, %arg7: memref<1x768xf32, #tpu.memory_space<vmem>>, %arg8: memref<1x768xf32, #tpu.memory_space<vmem>>, %arg9: memref<1x768xf32, #tpu.memory_space<vmem>>, %arg10: memref<100x16x768xf32, #tpu.memory_space<vmem>>) attributes {dimension_semantics = [#tpu.dimension_semantics<parallel>], iteration_bounds = array<i64: 32>, scalar_prefetch = 0 : i64, scratch_operands = 0 : i64, tpu.core_type = #tpu.core_type<tc>, window_params = [{transform_indices = @transform_0, window_bounds = array<i64: 100, 16, 768>}, {transform_indices = @transform_1, window_bounds = array<i64: 50, 16, 1024>}, {transform_indices = @transform_2, window_bounds = array<i64: 50, 16, 1>}, {pipeline_mode = #tpu.pipeline_mode<synchronous>, transform_indices = @transform_3, window_bounds = array<i64: 50, 1, 768>}, {pipeline_mode = #tpu.pipeline_mode<synchronous>, transform_indices = @transform_4, window_bounds = array<i64: 2, 768>}, {pipeline_mode = #tpu.pipeline_mode<synchronous>, transform_indices = @transform_5, window_bounds = array<i64: 1024, 768>}, {pipeline_mode = #tpu.pipeline_mode<synchronous>, transform_indices = @transform_6, window_bounds = array<i64: 1, 768>}, {pipeline_mode = #tpu.pipeline_mode<synchronous>, transform_indices = @transform_7, window_bounds = array<i64: 1, 768>}, {pipeline_mode = #tpu.pipeline_mode<synchronous>, transform_indices = @transform_8, window_bounds = array<i64: 1, 768>}, {transform_indices = @transform_9, window_bounds = array<i64: 100, 16, 768>}]} {
    %get3A = arith.constant 0 : index
    %get3A_0 = arith.constant 0 : index
    %get3A_1 = vector.load %arg8[%get3A, %get3A_0] : memref<1x768xf32, #tpu.memory_space<vmem>>, vector<1x768xf32>
    %reshape3A = vector.shape_cast %get3A_1 : vector<1x768xf32> to vector<1x1x768xf32>
    %get3A_2 = arith.constant 0 : index
    %get3A_3 = arith.constant 0 : index
    %get3A_4 = vector.load %arg9[%get3A_2, %get3A_3] : memref<1x768xf32, #tpu.memory_space<vmem>>, vector<1x768xf32>
    %reshape3A_5 = vector.shape_cast %get3A_4 : vector<1x768xf32> to vector<1x1x768xf32>
    %get3A_6 = arith.constant 0 : index
    %get3A_7 = arith.constant 0 : index
    %get3A_8 = vector.load %arg5[%get3A_6, %get3A_7] : memref<2x768xf32, #tpu.memory_space<vmem>>, vector<1x768xf32>
    %reshape3A_9 = vector.shape_cast %get3A_8 : vector<1x768xf32> to vector<1x1x768xf32>
    %get3A_10 = arith.constant 1 : index
    %get3A_11 = arith.constant 0 : index
    %get3A_12 = vector.load %arg5[%get3A_10, %get3A_11] : memref<2x768xf32, #tpu.memory_space<vmem>>, vector<1x768xf32>
    %get3A_13 = arith.constant 0 : index
    %get3A_14 = arith.constant 0 : index
    %get3A_15 = vector.load %arg5[%get3A_13, %get3A_14] : memref<2x768xf32, #tpu.memory_space<vmem>>, vector<1x768xf32>
    %sub3A = arith.subf %get3A_12, %get3A_15 : vector<1x768xf32>
    %reshape3A_16 = vector.shape_cast %sub3A : vector<1x768xf32> to vector<1x1x768xf32>
    %get3A_17 = arith.constant 0 : index
    %get3A_18 = arith.constant 0 : index
    %get3A_19 = arith.constant 0 : index
    %get3A_20 = vector.load %arg1[%get3A_17, %get3A_18, %get3A_19] : memref<100x16x768xf32, #tpu.memory_space<vmem>>, vector<50x16x768xf32>
    %get3A_21 = arith.constant 0 : index
    %get3A_22 = arith.constant 0 : index
    %get3A_23 = arith.constant 0 : index
    %get3A_24 = vector.load %arg4[%get3A_21, %get3A_22, %get3A_23] : memref<50x1x768xf32, #tpu.memory_space<vmem>>, vector<50x1x768xf32>
    %add3A = vector.broadcast %get3A_24 : vector<50x1x768xf32> to vector<50x16x768xf32>
    %add3A_25 = arith.addf %get3A_20, %add3A : vector<50x16x768xf32>
    %add3A_26 = vector.broadcast %reshape3A_9 : vector<1x1x768xf32> to vector<50x16x768xf32>
    %add3A_27 = arith.addf %add3A_25, %add3A_26 : vector<50x16x768xf32>
    %get3A_28 = arith.constant 0 : index
    %get3A_29 = arith.constant 0 : index
    %get3A_30 = arith.constant 0 : index
    %get3A_31 = vector.load %arg3[%get3A_28, %get3A_29, %get3A_30] : memref<50x16x1xf32, #tpu.memory_space<vmem>>, vector<50x16x1xf32>
    %mul3A = vector.broadcast %get3A_31 : vector<50x16x1xf32> to vector<50x16x768xf32>
    %mul3A_32 = vector.broadcast %reshape3A_16 : vector<1x1x768xf32> to vector<50x16x768xf32>
    %mul3A_33 = arith.mulf %mul3A, %mul3A_32 : vector<50x16x768xf32>
    %add3A_34 = arith.addf %add3A_27, %mul3A_33 : vector<50x16x768xf32>
    %reduce_sum3A = arith.constant dense<0.000000e+00> : vector<50x16xf32>
    %reduce_sum3A_35 = vector.multi_reduction <add>, %add3A_34, %reduce_sum3A [2] : vector<50x16x768xf32> to vector<50x16xf32>
    %broadcast_in_dim3A = vector.shape_cast %reduce_sum3A_35 : vector<50x16xf32> to vector<50x16x1xf32>
    %div3A = arith.constant 7.680000e+02 : f32
    %div3A_36 = vector.broadcast %div3A : f32 to vector<50x16x1xf32>
    %div3A_37 = arith.divf %broadcast_in_dim3A, %div3A_36 : vector<50x16x1xf32>
    %sub3A_38 = vector.broadcast %div3A_37 : vector<50x16x1xf32> to vector<50x16x768xf32>
    %sub3A_39 = arith.subf %add3A_34, %sub3A_38 : vector<50x16x768xf32>
    %mul3A_40 = arith.mulf %sub3A_39, %sub3A_39 : vector<50x16x768xf32>
    %reduce_sum3A_41 = arith.constant dense<0.000000e+00> : vector<50x16xf32>
    %reduce_sum3A_42 = vector.multi_reduction <add>, %mul3A_40, %reduce_sum3A_41 [2] : vector<50x16x768xf32> to vector<50x16xf32>
    %broadcast_in_dim3A_43 = vector.shape_cast %reduce_sum3A_42 : vector<50x16xf32> to vector<50x16x1xf32>
    %div3A_44 = arith.constant 7.680000e+02 : f32
    %div3A_45 = vector.broadcast %div3A_44 : f32 to vector<50x16x1xf32>
    %div3A_46 = arith.divf %broadcast_in_dim3A_43, %div3A_45 : vector<50x16x1xf32>
    %add3A_47 = arith.constant 9.99999996E-13 : f32
    %add3A_48 = vector.broadcast %add3A_47 : f32 to vector<50x16x1xf32>
    %add3A_49 = arith.addf %div3A_46, %add3A_48 : vector<50x16x1xf32>
    %rsqrt3A = math.rsqrt %add3A_49 : vector<50x16x1xf32>
    %mul3A_50 = vector.broadcast %rsqrt3A : vector<50x16x1xf32> to vector<50x16x768xf32>
    %mul3A_51 = arith.mulf %sub3A_39, %mul3A_50 : vector<50x16x768xf32>
    %mul3A_52 = vector.broadcast %reshape3A : vector<1x1x768xf32> to vector<50x16x768xf32>
    %mul3A_53 = arith.mulf %mul3A_51, %mul3A_52 : vector<50x16x768xf32>
    %add3A_54 = vector.broadcast %reshape3A_5 : vector<1x1x768xf32> to vector<50x16x768xf32>
    %add3A_55 = arith.addf %mul3A_53, %add3A_54 : vector<50x16x768xf32>
    %swap3A = arith.constant 0 : index
    %swap3A_56 = arith.constant 0 : index
    %swap3A_57 = arith.constant 0 : index
    %swap3A_58 = vector.load %arg10[%swap3A, %swap3A_56, %swap3A_57] : memref<100x16x768xf32, #tpu.memory_space<vmem>>, vector<50x16x768xf32>
    tpu.vector_store %arg10[%swap3A, %swap3A_56, %swap3A_57], %add3A_55 {strides = array<i32>} : memref<100x16x768xf32, #tpu.memory_space<vmem>>, vector<50x16x768xf32>,
    %get3A_59 = arith.constant 0 : index
    %get3A_60 = arith.constant 0 : index
    %get3A_61 = arith.constant 0 : index
    %get3A_62 = vector.load %arg2[%get3A_59, %get3A_60, %get3A_61] : memref<50x16x1024xbf16, #tpu.memory_space<vmem>>, vector<50x16x1024xbf16>
    %reshape3A_63 = vector.shape_cast %get3A_62 : vector<50x16x1024xbf16> to vector<800x1024xbf16>
    %get3A_64 = arith.constant 0 : index
    %get3A_65 = arith.constant 0 : index
    %get3A_66 = vector.load %arg6[%get3A_64, %get3A_65] : memref<1024x768xf32, #tpu.memory_space<vmem>>, vector<1024x768xf32>
    %convert_element_type3A = arith.truncf %get3A_66 : vector<1024x768xf32> to vector<1024x768xbf16>
    %dot_general3A = arith.constant dense<0.000000e+00> : vector<800x768xf32>
    %dot_general3A_67 = tpu.matmul %reshape3A_63, %convert_element_type3A, %dot_general3A {dimension_numbers = #tpu.dot_dimension_numbers<[1], [0], [0], [1], [0, 0, 1, 1], [], []>, transpose_lhs_hint = false} : vector<800x1024xbf16>, vector<1024x768xbf16>, vector<800x768xf32> -> vector<800x768xf32>
    %get3A_68 = arith.constant 50 : index
    %get3A_69 = arith.constant 0 : index
    %get3A_70 = arith.constant 0 : index
    %get3A_71 = vector.load %arg1[%get3A_68, %get3A_69, %get3A_70] : memref<100x16x768xf32, #tpu.memory_space<vmem>>, vector<50x16x768xf32>
    %reshape3A_72 = vector.shape_cast %dot_general3A_67 : vector<800x768xf32> to vector<50x16x768xf32>
    %add3A_73 = arith.addf %get3A_71, %reshape3A_72 : vector<50x16x768xf32>
    %get3A_74 = arith.constant 0 : index
    %get3A_75 = arith.constant 0 : index
    %get3A_76 = vector.load %arg7[%get3A_74, %get3A_75] : memref<1x768xf32, #tpu.memory_space<vmem>>, vector<1x768xf32>
    %reshape3A_77 = vector.shape_cast %get3A_76 : vector<1x768xf32> to vector<1x1x768xf32>
    %add3A_78 = vector.broadcast %reshape3A_77 : vector<1x1x768xf32> to vector<50x16x768xf32>
    %add3A_79 = arith.addf %add3A_73, %add3A_78 : vector<50x16x768xf32>
    %reduce_sum3A_80 = arith.constant dense<0.000000e+00> : vector<50x16xf32>
    %reduce_sum3A_81 = vector.multi_reduction <add>, %add3A_79, %reduce_sum3A_80 [2] : vector<50x16x768xf32> to vector<50x16xf32>
    %broadcast_in_dim3A_82 = vector.shape_cast %reduce_sum3A_81 : vector<50x16xf32> to vector<50x16x1xf32>
    %div3A_83 = arith.constant 7.680000e+02 : f32
    %div3A_84 = vector.broadcast %div3A_83 : f32 to vector<50x16x1xf32>
    %div3A_85 = arith.divf %broadcast_in_dim3A_82, %div3A_84 : vector<50x16x1xf32>
    %sub3A_86 = vector.broadcast %div3A_85 : vector<50x16x1xf32> to vector<50x16x768xf32>
    %sub3A_87 = arith.subf %add3A_79, %sub3A_86 : vector<50x16x768xf32>
    %mul3A_88 = arith.mulf %sub3A_87, %sub3A_87 : vector<50x16x768xf32>
    %reduce_sum3A_89 = arith.constant dense<0.000000e+00> : vector<50x16xf32>
    %reduce_sum3A_90 = vector.multi_reduction <add>, %mul3A_88, %reduce_sum3A_89 [2] : vector<50x16x768xf32> to vector<50x16xf32>
    %broadcast_in_dim3A_91 = vector.shape_cast %reduce_sum3A_90 : vector<50x16xf32> to vector<50x16x1xf32>
    %div3A_92 = arith.constant 7.680000e+02 : f32
    %div3A_93 = vector.broadcast %div3A_92 : f32 to vector<50x16x1xf32>
    %div3A_94 = arith.divf %broadcast_in_dim3A_91, %div3A_93 : vector<50x16x1xf32>
    %add3A_95 = arith.constant 9.99999996E-13 : f32
    %add3A_96 = vector.broadcast %add3A_95 : f32 to vector<50x16x1xf32>
    %add3A_97 = arith.addf %div3A_94, %add3A_96 : vector<50x16x1xf32>
    %rsqrt3A_98 = math.rsqrt %add3A_97 : vector<50x16x1xf32>
    %mul3A_99 = vector.broadcast %rsqrt3A_98 : vector<50x16x1xf32> to vector<50x16x768xf32>
    %mul3A_100 = arith.mulf %sub3A_87, %mul3A_99 : vector<50x16x768xf32>
    %mul3A_101 = vector.broadcast %reshape3A : vector<1x1x768xf32> to vector<50x16x768xf32>
    %mul3A_102 = arith.mulf %mul3A_100, %mul3A_101 : vector<50x16x768xf32>
    %add3A_103 = vector.broadcast %reshape3A_5 : vector<1x1x768xf32> to vector<50x16x768xf32>
    %add3A_104 = arith.addf %mul3A_102, %add3A_103 : vector<50x16x768xf32>
    %swap3A_105 = arith.constant 50 : index
    %swap3A_106 = arith.constant 0 : index
    %swap3A_107 = arith.constant 0 : index
    %swap3A_108 = vector.load %arg10[%swap3A_105, %swap3A_106, %swap3A_107] : memref<100x16x768xf32, #tpu.memory_space<vmem>>, vector<50x16x768xf32>
    tpu.vector_store %arg10[%swap3A_105, %swap3A_106, %swap3A_107], %add3A_104 {strides = array<i32>} : memref<100x16x768xf32, #tpu.memory_space<vmem>>, vector<50x16x768xf32>,
    return
  }
  func.func @transform_0(%arg0: i32) -> (i32, i32, i32) {
    %c0_i32 = arith.constant 0 : i32
    %c0_i32_0 = arith.constant 0 : i32
    %c0_i32_1 = arith.constant 0 : i32
    return %c0_i32, %arg0, %c0_i32_0 : i32, i32, i32
  }
  func.func @transform_1(%arg0: i32) -> (i32, i32, i32) {
    %add3A = arith.constant 0 : i32
    %add3A_0 = arith.addi %arg0, %add3A : i32
    %c0_i32 = arith.constant 0 : i32
    %c0_i32_1 = arith.constant 0 : i32
    %c0_i32_2 = arith.constant 0 : i32
    return %c0_i32, %add3A_0, %c0_i32_1 : i32, i32, i32
  }
  func.func @transform_2(%arg0: i32) -> (i32, i32, i32) {
    %add3A = arith.constant 0 : i32
    %add3A_0 = arith.addi %arg0, %add3A : i32
    %c0_i32 = arith.constant 0 : i32
    %c0_i32_1 = arith.constant 0 : i32
    %c0_i32_2 = arith.constant 0 : i32
    return %c0_i32, %add3A_0, %c0_i32_1 : i32, i32, i32
  }
  func.func @transform_3(%arg0: i32) -> (i32, i32, i32) {
    %c0_i32 = arith.constant 0 : i32
    %c0_i32_0 = arith.constant 0 : i32
    %c0_i32_1 = arith.constant 0 : i32
    %c0_i32_2 = arith.constant 0 : i32
    return %c0_i32, %c0_i32_0, %c0_i32_1 : i32, i32, i32
  }
  func.func @transform_4(%arg0: i32) -> (i32, i32) {
    %c0_i32 = arith.constant 0 : i32
    %c0_i32_0 = arith.constant 0 : i32
    %c0_i32_1 = arith.constant 0 : i32
    return %c0_i32, %c0_i32_0 : i32, i32
  }
  func.func @transform_5(%arg0: i32) -> (i32, i32) {
    %c0_i32 = arith.constant 0 : i32
    %c0_i32_0 = arith.constant 0 : i32
    %c0_i32_1 = arith.constant 0 : i32
    return %c0_i32, %c0_i32_0 : i32, i32
  }
  func.func @transform_6(%arg0: i32) -> (i32, i32) {
    %c0_i32 = arith.constant 0 : i32
    %c0_i32_0 = arith.constant 0 : i32
    %c0_i32_1 = arith.constant 0 : i32
    return %c0_i32, %c0_i32_0 : i32, i32
  }
  func.func @transform_7(%arg0: i32) -> (i32, i32) {
    %c0_i32 = arith.constant 0 : i32
    %c0_i32_0 = arith.constant 0 : i32
    %c0_i32_1 = arith.constant 0 : i32
    return %c0_i32, %c0_i32_0 : i32, i32
  }
  func.func @transform_8(%arg0: i32) -> (i32, i32) {
    %c0_i32 = arith.constant 0 : i32
    %c0_i32_0 = arith.constant 0 : i32
    %c0_i32_1 = arith.constant 0 : i32
    return %c0_i32, %c0_i32_0 : i32, i32
  }
  func.func @transform_9(%arg0: i32) -> (i32, i32, i32) {
    %add3A = arith.constant 0 : i32
    %add3A_0 = arith.addi %arg0, %add3A : i32
    %c0_i32 = arith.constant 0 : i32
    %c0_i32_1 = arith.constant 0 : i32
    %c0_i32_2 = arith.constant 0 : i32
    return %c0_i32, %add3A_0, %c0_i32_1 : i32, i32, i32
  }
}

</mosaic_0001>

<sc_bundles>
// kernel: kernel.6.cloned.1.call-start
scs
__scs_entry_jumppad:
0x0: {  	(pc) =	sbr.rel $0x88, $3  }
0x1: {  	(tag) =	ssettag $0x0;
	lr =	simm.s32 $0x1  }
0x2: {  	[smem:$0x3F96] =	sst lr;
	_ =	strace $0xD0000000  }
0x3: {  	_ = 	snop  }
0x4: {  	_ = 	snop  }
0x5: {  	_ = 	snop  }
0x6: {  	_ = 	snop  }
0x7: {  	_ = 	snop  }
__scs_overlays_trampoline_lowered:
0x8: {  	[smem:$0x3FA5] =	sst s0  }
0x9: {  	[smem:$0x3FA6] =	sst s1  }
0xa: {  	[smem:$0x3FA7] =	sst s2  }
0xb: {  	[smem:$0x3FA8] =	sst s3  }
0xc: {  	[smem:$0x3FA9] =	sst s4  }
0xd: {  	[smem:$0x3FAA] =	sst s5  }
0xe: {  	[smem:$0x3FAB] =	sst s6  }
0xf: {  	[smem:$0x3FAC] =	sst s7  }
0x10: {  	[smem:$0x3FAD] =	sst s8  }
0x11: {  	[smem:$0x3FAE] =	sst s9;
	s0 =	simm.s32 @!p0 $0x0  }
0x12: {  	s1 =	sld [smem:$0x3F94];
	s0 =	simm.s32 @p0 $0x1  }
0x13: {  	[smem:$0x3FAF] =	sst s0;
	s0 =	simm.s32 @!p1 $0x0  }
0x14: {  	s2 =	sld [smem:$0x3F93];
	s0 =	simm.s32 @p1 $0x1  }
0x15: {  	[smem:$0x3FB0] =	sst s0;
	s0 =	simm.s32 @!p2 $0x0  }
0x16: {  	s3 =	sld [smem:$0x3FDB];
	s0 =	simm.s32 @p2 $0x1  }
0x17: {  	s4 =	simm.s32 $0x1BF5;
	[smem:$0x3FB2] =	sst s0  }
0x18: {  	s0 =	sld [smem:$0x3F95];
	_ =	swait.ge [sflag:s4], $0x0  }
0x19: {  	s7 =	sld [smem:$0x3F96]  }
0x1a: {  	s8 =	sadd.s32 $0xFFFFE003, lr  }
0x1b: {  	s9 =	sadd.s32 $0xFFFFFEF7, lr;
	s5 =	simm.s32 $0xFFFFFFFF;
	p2 =	slt.u32 s8, $0xFFFFF086  }
0x1c: {  	p1 =	slt.u32 s9, $0xF7A;
	s5 =	simm.s32 @!p2 $0x0  }
0x1d: {  	s5 =	simm.s32 @p1 $0x1;
	p0 =	seq.s32 s7, s2  }
0x1e: {  	s7 =	smul.u32 @!p0 $0xF7A, s2;
	p2 =	seq.s32 @!p0 s5, $0x0  }
0x1f: {  	s9 =	smul.u32 $0xF7A, s1;
	s8 =	simm.s32 @!p0 $0x1BF5;
	p2 =	por !p2, p0  }
0x20: {  	[sflag:s8] =	ssyncset.s32 @!p0 $0xFFFFF086;
	s6 =	sadd.s32 @!p0 s3, s7;
	s7 =	simm.s32 @!p0 $0x108  }
0x21: {  	s3 =	sadd.s32 s3, s9;
	s6 =	sadd.s32 @!p0 $0x88, s6;
	s7 =	simm.s32 @p2 $0x1082  }
0x22: {  	[simem:s7], [sflag:s8] =	dma.local @!p0 [hbm:s6], $0xF7A  }
0x23: {  	s9 =	sor.u32 $0xD0000000, s2;
	s6 =	simm.s32 $0x108;
	_ =	swait.ge @!p0 [sflag:s8], $0x0  }
0x24: {  	s3 =	sadd.s32 $0x88, s3;
	s6 =	simm.s32 @!p1 $0x1082;
	[sflag:s4] =	ssyncset.s32 $0xFFFFF086  }
0x25: {  	[simem:s6], [sflag:s4] =	dma.local [hbm:s3], $0xF7A  }
0x26: {  	[smem:$0x3F96] =	sst s1;
	(tag) =	ssettag s2;
	_ =	strace s9  }
0x27: {  	s1 =	sld [smem:$0x3FA6]  }
0x28: {  	s2 =	sld [smem:$0x3FA7]  }
0x29: {  	s4 =	sld [smem:$0x3FA9]  }
0x2a: {  	p0 =	seq.s32 s5, $0x0;
	s5 =	sld [smem:$0x3FAA]  }
0x2b: {  	s6 =	sld [smem:$0x3FAB]  }
0x2c: {  	s7 =	sld [smem:$0x3FAC]  }
0x2d: {  	s3 =	simm.s32 $0x108;
	s8 =	sld [smem:$0x3FAD]  }
0x2e: {  	s3 =	simm.s32 @!p0 $0x1082;
	s9 =	sld [smem:$0x3FAE]  }
0x2f: {  	lr =	sadd.s32 s0, s3;
	s0 =	sld [smem:$0x3FA5]  }
0x30: {  	s3 =	sld [smem:$0x3FA8]  }
0x31: {  	[smem:$0x3FB1] =	sst s10  }
0x32: {  	s10 =	sld [smem:$0x3FAF];
	_ =	sdelay $0x3  }
0x33: {  	p0 =	seq.s32 s10, $0x1;
	s10 =	sld [smem:$0x3FB1];
	_ =	sdelay $0x3  }
0x34: {  	[smem:$0x3FB1] =	sst s10  }
0x35: {  	s10 =	sld [smem:$0x3FB0];
	_ =	sdelay $0x3  }
0x36: {  	p1 =	seq.s32 s10, $0x1;
	s10 =	sld [smem:$0x3FB1];
	_ =	sdelay $0x3  }
0x37: {  	[smem:$0x3FB1] =	sst s10  }
0x38: {  	s10 =	sld [smem:$0x3FB2]  }
0x39: {  	_ = 	snop;
	(pc) =	sbr.ind lr, $3  }
0x3a: {  	_ = 	snop  }
0x3b: {  	_ = 	snop  }
0x3c: {  	p2 =	seq.s32 s10, $0x1;
	s10 =	sld [smem:$0x3FB1]  }
0x3d: {  	_ =	shalt  }
0x3e: {  	_ =	shalt  }
0x3f: {  	_ =	shalt  }
0x40: {  	_ =	shalt  }
0x41: {  	_ =	shalt  }
0x42: {  	_ =	shalt  }
0x43: {  	_ =	shalt  }
0x44: {  	_ =	shalt  }
0x45: {  	_ =	shalt  }
0x46: {  	_ =	shalt  }
0x47: {  	_ =	shalt  }
0x48: {  	_ =	shalt  }
0x49: {  	_ =	shalt  }
0x4a: {  	_ =	shalt  }
0x4b: {  	_ =	shalt  }
0x4c: {  	_ =	shalt  }
0x4d: {  	_ =	shalt  }
0x4e: {  	_ =	shalt  }
0x4f: {  	_ =	shalt  }
0x50: {  	_ =	shalt  }
0x51: {  	_ =	shalt  }
0x52: {  	_ =	shalt  }
0x53: {  	_ =	shalt  }
0x54: {  	_ =	shalt  }
0x55: {  	_ =	shalt  }
0x56: {  	_ =	shalt  }
0x57: {  	_ =	shalt  }
0x58: {  	_ =	shalt  }
0x59: {  	_ =	shalt  }
0x5a: {  	_ =	shalt  }
0x5b: {  	_ =	shalt  }
0x5c: {  	_ =	shalt  }
0x5d: {  	_ =	shalt  }
0x5e: {  	_ =	shalt  }
0x5f: {  	_ =	shalt  }
0x60: {  	_ =	shalt  }
0x61: {  	_ =	shalt  }
0x62: {  	_ =	shalt  }
0x63: {  	_ =	shalt  }
0x64: {  	_ =	shalt  }
0x65: {  	_ =	shalt  }
0x66: {  	_ =	shalt  }
0x67: {  	_ =	shalt  }
0x68: {  	_ =	shalt  }
0x69: {  	_ =	shalt  }
0x6a: {  	_ =	shalt  }
0x6b: {  	_ =	shalt  }
0x6c: {  	_ =	shalt  }
0x6d: {  	_ =	shalt  }
0x6e: {  	_ =	shalt  }
0x6f: {  	_ =	shalt  }
0x70: {  	_ =	shalt  }
0x71: {  	_ =	shalt  }
0x72: {  	_ =	shalt  }
0x73: {  	_ =	shalt  }
0x74: {  	_ =	shalt  }
0x75: {  	_ =	shalt  }
0x76: {  	_ =	shalt  }
0x77: {  	_ =	shalt  }
0x78: {  	_ =	shalt  }
0x79: {  	_ =	shalt  }
0x7a: {  	_ =	shalt  }
0x7b: {  	_ =	shalt  }
0x7c: {  	_ =	shalt  }
0x7d: {  	_ =	shalt  }
0x7e: {  	_ =	shalt  }
0x7f: {  	_ =	shalt  }
0x80: {  	_ =	shalt  }
0x81: {  	_ =	shalt  }
0x82: {  	_ =	shalt  }
0x83: {  	_ =	shalt  }
0x84: {  	_ =	shalt  }
0x85: {  	_ =	shalt  }
0x86: {  	_ =	shalt  }
0x87: {  	_ =	shalt  }
.Lfunc_end0:
.L_simem_size_0:
called_computation_lowered:
.L_overlay_start_0:
0x88: {  	s2 =	sld [smem:$0x3FD9]  }
0x89: {  	s3 =	sld [smem:$0x3FFE];
	_ =	sdelay $0x1  }
0x8a: {  	s1 =	srdreg.scid  }
0x8b: {  	s0 =	sand.u32 $0x1, s1  }
0x8c: {  	s17 =	sshll.u32 s0, $0xA;
	s2 =	sadd.s32 s3, s2  }
0x8d: {  	s2 =	sadd.s32 s2, s17  }
0x8e: {  	[smem:$0x3FBD] =	sst s2  }
0x8f: {  	_ = 	snop  }
0x90: {  	s2 =	sld [smem:$0x3FC5];
	(tm) =	ssettm $0x1  }
0x91: {  	s18 =	sld [smem:$0x3FFB];
	_ =	sdelay $0x3  }
0x92: {  	_ =	strace s18  }
0x93: {  	s3 =	sld [smem:$0x3FFC];
	_ =	sdelay $0x3  }
0x94: {  	_ =	strace s3  }
0x95: {  	s3 =	sld [smem:$0x3FFD];
	_ =	sdelay $0x3  }
0x96: {  	_ =	strace s3  }
0x97: {  	_ =	strace $0x8FFFFFFF  }
0x98: {  	s19 =	sld [smem:$0x3FDB];
	_ =	sdelay $0x1  }
0x99: {  	s4 =	simm.s32 $_scs_section_size  }
0x9a: {  	s5 =	simm.s32 $_size__tile_overlayer_lowered;
	s6 =	simm.s32 $_tile_overlayer_lowered  }
0x9b: {  	s22 =	simm.s32 $0x1BFF;
	s21 =	sshll.u32 s6, $0x1;
	s3 =	sadd.s32 s4, s19  }
0x9c: {  	s7 =	simm.s32 $0x0;
	s20 =	sshll.u32 s5, $0x1;
	s5 =	sadd.s32 s21, s3  }
0x9d: {  	[timem:s7], [sflag:s22] =	dma.local [hbm:s5], s20  }
0x9e: {  	_ =	swait.ge [sflag:s22], s20  }
0x9f: {  	s4 =	ssub.s32 $0x0, s20;
	[sflag:s22] =	ssyncset.done $0x0  }
0xa0: {  	[sflag:s22] =	ssyncadd.s32 s4;
	_ =	sdelay $0x1  }
0xa1: {  	s23 =	simm.s32 $0x1B8B  }
0xa2: {  	_ =	swait.ge [sflag:s23], $0x1  }
0xa3: {  	[sflag:s23] =	ssyncset.done $0x0  }
0xa4: {  	s25 =	simm.s32 $0x1B8E;
	s24 =	sld [smem:$0x3FFE];
	[sflag:s23] =	ssyncadd.s32 $0xFFFFFFFF  }
0xa5: {  	s26 =	simm.s32 $execute0_lowered;
	[smem:$0x3FD2] =	sst s25  }
0xa6: {  	s5 =	sshll.u32 s26, $0x1;
	_ =	strace $0x80000046;
	[dreg:$0x1] =	wrdreg $0xFFFFFFFF  }
0xa7: {  	s28 =	simm.s32 $_size_execute0_lowered;
	s3 =	sadd.s32 s3, s5;
	[dreg:$0x0] =	wrdreg $0x0  }
0xa8: {  	s5 =	sshll.u32 s28, $0x1;
	[dreg:$0x2] =	wrdreg s3  }
0xa9: {  	[dreg:$0x3] =	wrdreg s5  }
0xaa: {  	[dreg:$0x4] =	wrdreg $0xC0  }
0xab: {  	_ =	task [dreg:s7], $0x5FFFF  }
0xac: {  	[dreg:$0x1] =	wrdreg $0xFFFFFFFF  }
0xad: {  	[dreg:$0x0] =	wrdreg $0x60  }
0xae: {  	[dreg:$0x2] =	wrdreg s24  }
0xaf: {  	[dreg:$0x3] =	wrdreg s2  }
0xb0: {  	[dreg:$0x4] =	wrdreg $0x9  }
0xb1: {  	_ =	task.clear_ibuf [dreg:s7], $0x5FFFF;
	_ =	strace $0x90000046  }
0xb2: {  	s29 =	simm.s32 $0x9;
	_ =	strace $0x80000048  }
0xb3: {  	_ =	swait.ge [sflag:s29], $0x1  }
0xb4: {  	[sflag:s29] =	ssyncadd.s32 $0xFFFFFFFF  }
0xb5: {  	_ =	strace $0x90000048  }
0xb6: {  	_ =	sfence  }
0xb7: {  	s30 =	sld [smem:$0x0];
	_ =	sdelay $0x2  }
0xb8: {  	s31 =	sshll.u32 s1, $0xD;
	s1 =	sshrl.u32 s1, $0x2  }
0xb9: {  	s3 =	sand.u32 $0x4000, s31;
	s1 =	sadd.s32 s1, s30  }
0xba: {  	s0 =	sor.u32 s3, s0;
	s1 =	sshll.u32 s1, $0x11  }
0xbb: {  	s0 =	sor.u32 s1, s0  }
0xbc: {  	s0 =	sadd.s32 $0x8F2B, s0  }
0xbd: {  	[sflag:s0] =	ssyncadd.remote.s32 $0x1  }
0xbe: {  	_ =	sfence.sel $0xFFFF  }
0xbf: {  	[dreg:$0x0] =	wrdreg $0xFFFFFFFF;
	(pc) =	sbr.abs _section_cstart, $3  }
0xc0: {  	[dreg:$0x1] =	wrdreg $0xFFFFFFFF  }
0xc1: {  	_ =	task.clear_ibuf [dreg:s7], $0x2FFFF;
	_ =	strace $0x9FFFFFFF  }
0xc2: {  	(tm) =	ssettm $0x7FFFFFFF  }
0xc3: {  	_ =	shalt  }
tec
execute0_lowered:
.L_overlay_start_1:
0x0: {  	(tag) =	ssettag $0x1  }
0x1: {  	s0 =	rddreg [dreg:$0x0]  }
0x2: {  	s1 =	srdreg.scid;
	s7 =	stileid.u32  }
0x3: {  	s2 =	rddreg [dreg:$0x1];
	s3 =	simm.s32 $0x0;
	s14 =	simm.s32 $0x5  }
0x4: {  	s11 =	simm.s32 $0x2100;
	s12 =	simm.s32 $0x2900;
	s13 =	simm.s32 $0x3100  }
0x5: {  	s16 =	simm.s32 $0x3900;
	s17 =	simm.s32 $0x4100;
	s18 =	simm.s32 $0x4900  }
0x6: {  	s19 =	simm.s32 $0x5100;
	s20 =	simm.s32 $0x5900;
	s28 =	simm.s32 $0x8100  }
0x7: {  	s15 =	simm.s32 $0x8900;
	s29 =	simm.s32 $0xA100;
	s30 =	simm.s32 $0x1  }
0x8: {  	s31 =	simm.s32 $0x3;
	s1 =	sand.u32 $0x1, s1;
	s4 =	sshll.u32 s7, $0x1  }
0x9: {  	[smem:$0x7FF] =	sst s3;
	s7 =	smul.u32 $0xC80, s7;
	s21 =	sadd.s32 $0x1E00, s0  }
0xa: {  	s0 =	sadd.s32 $0x3800, s0;
	s4 =	sor.u32 s1, s4;
	_ =	strace $0x80000047  }
0xb: {  	s6 =	ssub.s32 $0x2, s1;
	s1 =	smul.u32 $0x640, s1;
	[dreg:$0xc] =	wrdreg s21  }
0xc: {  	s5 =	smul.u32 $0x640, s4;
	s8 =	sshrl.u32 s6, $0x1;
	s4 =	simm.s32 $0xF100  }
0xd: {  	s8 =	ssub.s32 s6, s8;
	s1 =	sadd.s32 s1, s7;
	s6 =	sadd.s32 $0x100, s2  }
0xe: {  	s7 =	sadd.s32 $0x200, s2;
	s5 =	sshrl.u32 s5, $0x3;
	s9 =	sadd.s32 $0x50, s1  }
0xf: {  	s23 =	sshrl.u32 s1, $0x3;
	s24 =	sadd.s32 $0xF0, s1;
	s8 =	smax.u32 s8, $0x1  }
0x10: {  	s26 =	sadd.s32 $0xA0, s1;
	s1 =	simm.s32 $0x2;
	s10 =	sadd.s32 s21, s5  }
0x11: {  	s5 =	smul.u32 $0x300, s5;
	s9 =	sshrl.u32 s9, $0x3;
	[dreg:$0x9] =	wrdreg s8  }
0x12: {  	[dreg:$0xb] =	wrdreg s26;
	s8 =	simm.s32 $0x900;
	s26 =	simm.s32 $0x9100  }
0x13: {  	[dreg:$0x5] =	wrdreg s10;
	s10 =	sadd.s32 $0xA, s10;
	s5 =	sadd.s32 s0, s5  }
0x14: {  	s9 =	smul.u32 $0x300, s9;
	[dreg:$0x6] =	wrdreg s10;
	s22 =	sadd.s32 $0x21C00, s5  }
0x15: {  	s10 =	smul.u32 $0x300, s23;
	s5 =	sadd.s32 $0x23A00, s5;
	[dreg:$0x7] =	wrdreg s22  }
0x16: {  	s23 =	simm.s32 $0x6900;
	s25 =	sadd.s32 s9, s0;
	[dreg:$0x8] =	wrdreg s5  }
0x17: {  	s9 =	simm.s32 $0x1100;
	s5 =	sshrl.u32 s24, $0x3;
	[dreg:$0x3] =	wrdreg s25  }
0x18: {  	s0 =	sadd.s32 s10, s0;
	s22 =	simm.s32 $0x100;
	s10 =	simm.s32 $0x1900  }
0x19: {  	v2 =	vlaneseq.u32;
	s24 =	simm.s32 $0x7100;
	s5 =	sadd.s32 s5, s21;
	[dreg:$0x4] =	wrdreg s0  }
0x1a: {  	vm0 =	vmmov $0xffff;
	v1 =	vshrl.u32 v2, $0x3;
	s25 =	simm.s32 $0x7900;
	[dreg:$0xa] =	wrdreg s5;
	s5 =	simm.s32 $0x0  }
0x1b: {  	v0 =	vand.u32 $0x7, v2;
	v2 =	vor.u32 $0x8, v2;
	v1 =	vmul.u32 $0x8, v1;
	s21 =	simm.s32 $0x6100;
	s0 =	simm.s32 $0x4;
	[dreg:$0xd] =	wrdreg s5  }
.LBB2_1:
0x1c: {  	s5 =	rddreg [dreg:$0x5]  }
0x1d: {  	[tilespmem:s3], [sflag:$0x5] =	stream.linear.gather [hbm4b:s5+s3], $0x50, $0x38;
	[tilespmem:$0x1E100] =	vst v63  }
0x1e: {  	_ =	swait.ge [sflag:s14], $0x50  }
0x1f: {  	[sflag:s14] =	ssyncset.done $0x0  }
0x20: {  	[sflag:s14] =	ssyncadd.s32 $0xFFFFFFB0  }
0x21: {  	v3 =	vld [tilespmem:$0x0];
	_ =	sdelay $0x4  }
0x22: {  	v4 =	vshrl.u32 v3, $0x3  }
0x23: {  	v4 =	vmul.u32 $0x30, v4  }
0x24: {  	v3 =	vand.u32 $0x7, v3  }
0x25: {  	v3 =	vor.u32 v3, v4  }
0x26: {  	v4 =	vperm.xlane v3, v0;
	_ =	sdelay $0x1  }
0x27: {  	v4 =	vadd.s32 v1, v4;
	_ =	sdelay $0x3  }
0x28: {  	v3 =	vperm.xlane v3, v2  }
0x29: {  	[tilespmem:s22], [sflag:$0x1] =	stream.indirect_vreg.gather [hbm4b:s2+s3], $0x80, v4, vm0, $0xb8;
	[tilespmem:$0x1E100] =	vst v63  }
0x2a: {  	v3 =	vadd.s32 v1, v3  }
0x2b: {  	[tilespmem:s8], [sflag:$0x1] =	stream.indirect_vreg.gather [hbm4b:s6+s3], $0x80, v4, vm0, $0xb8;
	[tilespmem:$0x1E100] =	vst v63  }
0x2c: {  	_ = 	snop  }
0x2d: {  	[tilespmem:s9], [sflag:$0x1] =	stream.indirect_vreg.gather [hbm4b:s7+s3], $0x80, v4, vm0, $0xb8;
	[tilespmem:$0x1E100] =	vst v63  }
0x2e: {  	_ = 	snop  }
0x2f: {  	[tilespmem:s10], [sflag:$0x1] =	stream.indirect_vreg.gather [hbm4b:s2+s3], $0x80, v3, vm0, $0xb8;
	[tilespmem:$0x1E100] =	vst v63  }
0x30: {  	_ = 	snop  }
0x31: {  	[tilespmem:s11], [sflag:$0x1] =	stream.indirect_vreg.gather [hbm4b:s6+s3], $0x80, v3, vm0, $0xb8;
	[tilespmem:$0x1E100] =	vst v63  }
0x32: {  	_ = 	snop  }
0x33: {  	[tilespmem:s12], [sflag:$0x1] =	stream.indirect_vreg.gather [hbm4b:s7+s3], $0x80, v3, vm0, $0xb8;
	[tilespmem:$0x1E100] =	vst v63  }
0x34: {  	v3 =	vld [tilespmem:$0x10];
	_ =	sdelay $0x4  }
0x35: {  	v55 =	vshrl.u32 v3, $0x3  }
0x36: {  	v4 =	vmul.u32 $0x30, v55  }
0x37: {  	v3 =	vand.u32 $0x7, v3  }
0x38: {  	v3 =	vor.u32 v3, v4  }
0x39: {  	v4 =	vperm.xlane v3, v0;
	_ =	sdelay $0x1  }
0x3a: {  	v4 =	vadd.s32 v1, v4;
	_ =	sdelay $0x3  }
0x3b: {  	v3 =	vperm.xlane v3, v2  }
0x3c: {  	[tilespmem:s13], [sflag:$0x1] =	stream.indirect_vreg.gather [hbm4b:s2+s3], $0x80, v4, vm0, $0xb8;
	[tilespmem:$0x1E100] =	vst v63  }
0x3d: {  	v3 =	vadd.s32 v1, v3  }
0x3e: {  	[tilespmem:s16], [sflag:$0x1] =	stream.indirect_vreg.gather [hbm4b:s6+s3], $0x80, v4, vm0, $0xb8;
	[tilespmem:$0x1E100] =	vst v63  }
0x3f: {  	_ = 	snop  }
0x40: {  	[tilespmem:s17], [sflag:$0x1] =	stream.indirect_vreg.gather [hbm4b:s7+s3], $0x80, v4, vm0, $0xb8;
	[tilespmem:$0x1E100] =	vst v63  }
0x41: {  	_ = 	snop  }
0x42: {  	[tilespmem:s18], [sflag:$0x1] =	stream.indirect_vreg.gather [hbm4b:s2+s3], $0x80, v3, vm0, $0xb8;
	[tilespmem:$0x1E100] =	vst v63  }
0x43: {  	_ = 	snop  }
0x44: {  	[tilespmem:s19], [sflag:$0x1] =	stream.indirect_vreg.gather [hbm4b:s6+s3], $0x80, v3, vm0, $0xb8;
	[tilespmem:$0x1E100] =	vst v63  }
0x45: {  	_ = 	snop  }
0x46: {  	[tilespmem:s20], [sflag:$0x1] =	stream.indirect_vreg.gather [hbm4b:s7+s3], $0x80, v3, vm0, $0xb8;
	[tilespmem:$0x1E100] =	vst v63  }
0x47: {  	v3 =	vld [tilespmem:$0x20];
	_ =	sdelay $0x4  }
0x48: {  	v56 =	vshrl.u32 v3, $0x3  }
0x49: {  	v4 =	vmul.u32 $0x30, v56  }
0x4a: {  	v3 =	vand.u32 $0x7, v3  }
0x4b: {  	v3 =	vor.u32 v3, v4  }
0x4c: {  	v4 =	vperm.xlane v3, v0;
	_ =	sdelay $0x1  }
0x4d: {  	v4 =	vadd.s32 v1, v4;
	_ =	sdelay $0x3  }
0x4e: {  	v3 =	vperm.xlane v3, v2  }
0x4f: {  	[tilespmem:s21], [sflag:$0x1] =	stream.indirect_vreg.gather [hbm4b:s2+s3], $0x80, v4, vm0, $0xb8;
	[tilespmem:$0x1E100] =	vst v63  }
0x50: {  	v3 =	vadd.s32 v1, v3  }
0x51: {  	[tilespmem:s23], [sflag:$0x1] =	stream.indirect_vreg.gather [hbm4b:s6+s3], $0x80, v4, vm0, $0xb8;
	[tilespmem:$0x1E100] =	vst v63  }
0x52: {  	_ = 	snop  }
0x53: {  	[tilespmem:s24], [sflag:$0x1] =	stream.indirect_vreg.gather [hbm4b:s7+s3], $0x80, v4, vm0, $0xb8;
	[tilespmem:$0x1E100] =	vst v63  }
0x54: {  	_ = 	snop  }
0x55: {  	[tilespmem:s25], [sflag:$0x1] =	stream.indirect_vreg.gather [hbm4b:s2+s3], $0x80, v3, vm0, $0xb8;
	[tilespmem:$0x1E100] =	vst v63  }
0x56: {  	_ = 	snop  }
0x57: {  	[tilespmem:s28], [sflag:$0x1] =	stream.indirect_vreg.gather [hbm4b:s6+s3], $0x80, v3, vm0, $0xb8;
	[tilespmem:$0x1E100] =	vst v63  }
0x58: {  	_ = 	snop  }
0x59: {  	[tilespmem:s15], [sflag:$0x1] =	stream.indirect_vreg.gather [hbm4b:s7+s3], $0x80, v3, vm0, $0xb8;
	[tilespmem:$0x1E100] =	vst v63  }
0x5a: {  	v3 =	vld [tilespmem:$0x30];
	_ =	sdelay $0x4  }
0x5b: {  	v57 =	vshrl.u32 v3, $0x3  }
0x5c: {  	v4 =	vmul.u32 $0x30, v57  }
0x5d: {  	v3 =	vand.u32 $0x7, v3  }
0x5e: {  	v3 =	vor.u32 v3, v4  }
0x5f: {  	v4 =	vperm.xlane v3, v0;
	_ =	sdelay $0x1  }
0x60: {  	v4 =	vadd.s32 v1, v4;
	_ =	sdelay $0x3  }
0x61: {  	v3 =	vperm.xlane v3, v2  }
0x62: {  	[tilespmem:s26], [sflag:$0x1] =	stream.indirect_vreg.gather [hbm4b:s2+s3], $0x80, v4, vm0, $0xb8;
	[tilespmem:$0x1E100] =	vst v63  }
0x63: {  	s8 =	simm.s32 $0x9900;
	v3 =	vadd.s32 v1, v3  }
0x64: {  	[tilespmem:s8], [sflag:$0x1] =	stream.indirect_vreg.gather [hbm4b:s6+s3], $0x80, v4, vm0, $0xb8;
	[tilespmem:$0x1E100] =	vst v63  }
0x65: {  	_ = 	snop  }
0x66: {  	[tilespmem:s29], [sflag:$0x1] =	stream.indirect_vreg.gather [hbm4b:s7+s3], $0x80, v4, vm0, $0xb8;
	[tilespmem:$0x1E100] =	vst v63  }
0x67: {  	s9 =	simm.s32 $0xA900  }
0x68: {  	[tilespmem:s9], [sflag:$0x1] =	stream.indirect_vreg.gather [hbm4b:s2+s3], $0x80, v3, vm0, $0xb8;
	[tilespmem:$0x1E100] =	vst v63  }
0x69: {  	s10 =	simm.s32 $0xB100  }
0x6a: {  	[tilespmem:s10], [sflag:$0x1] =	stream.indirect_vreg.gather [hbm4b:s6+s3], $0x80, v3, vm0, $0xb8;
	[tilespmem:$0x1E100] =	vst v63  }
0x6b: {  	s11 =	simm.s32 $0xB900  }
0x6c: {  	[tilespmem:s11], [sflag:$0x1] =	stream.indirect_vreg.gather [hbm4b:s7+s3], $0x80, v3, vm0, $0xb8;
	[tilespmem:$0x1E100] =	vst v63  }
0x6d: {  	v3 =	vld [tilespmem:$0x40];
	_ =	sdelay $0x4  }
0x6e: {  	v58 =	vshrl.u32 v3, $0x3  }
0x6f: {  	v4 =	vmul.u32 $0x30, v58  }
0x70: {  	v3 =	vand.u32 $0x7, v3  }
0x71: {  	v3 =	vor.u32 v3, v4  }
0x72: {  	v4 =	vperm.xlane v3, v0;
	_ =	sdelay $0x1  }
0x73: {  	v4 =	vadd.s32 v1, v4;
	_ =	sdelay $0x3  }
0x74: {  	s12 =	simm.s32 $0xC100;
	v3 =	vperm.xlane v3, v2  }
0x75: {  	[tilespmem:s12], [sflag:$0x1] =	stream.indirect_vreg.gather [hbm4b:s2+s3], $0x80, v4, vm0, $0xb8;
	[tilespmem:$0x1E100] =	vst v63  }
0x76: {  	s13 =	simm.s32 $0xC900;
	v3 =	vadd.s32 v1, v3  }
0x77: {  	[tilespmem:s13], [sflag:$0x1] =	stream.indirect_vreg.gather [hbm4b:s6+s3], $0x80, v4, vm0, $0xb8;
	[tilespmem:$0x1E100] =	vst v63  }
0x78: {  	s15 =	simm.s32 $0xD100  }
0x79: {  	[tilespmem:s15], [sflag:$0x1] =	stream.indirect_vreg.gather [hbm4b:s7+s3], $0x80, v4, vm0, $0xb8;
	[tilespmem:$0x1E100] =	vst v63  }
0x7a: {  	s16 =	simm.s32 $0xD900  }
0x7b: {  	[tilespmem:s16], [sflag:$0x1] =	stream.indirect_vreg.gather [hbm4b:s2+s3], $0x80, v3, vm0, $0xb8;
	[tilespmem:$0x1E100] =	vst v63  }
0x7c: {  	s17 =	simm.s32 $0xE100  }
0x7d: {  	[tilespmem:s17], [sflag:$0x1] =	stream.indirect_vreg.gather [hbm4b:s6+s3], $0x80, v3, vm0, $0xb8;
	[tilespmem:$0x1E100] =	vst v63  }
0x7e: {  	s18 =	simm.s32 $0xE900  }
0x7f: {  	[tilespmem:s18], [sflag:$0x1] =	stream.indirect_vreg.gather [hbm4b:s7+s3], $0x80, v3, vm0, $0xb8;
	[tilespmem:$0x1E100] =	vst v63  }
0x80: {  	s19 =	rddreg [dreg:$0x6];
	s20 =	simm.s32 $0x80  }
0x81: {  	[tilespmem:s20], [sflag:$0x5] =	stream.linear.gather [hbm4b:s19+s3], $0x50, $0x38;
	[tilespmem:$0x1E100] =	vst v63  }
0x82: {  	_ =	swait.ge [sflag:s14], $0x50  }
0x83: {  	[sflag:s14] =	ssyncset.done $0x0  }
0x84: {  	[sflag:s14] =	ssyncadd.s32 $0xFFFFFFB0  }
0x85: {  	v3 =	vld [tilespmem:$0x80];
	_ =	sdelay $0x4  }
0x86: {  	v59 =	vshrl.u32 v3, $0x3  }
0x87: {  	v4 =	vmul.u32 $0x30, v59  }
0x88: {  	v3 =	vand.u32 $0x7, v3  }
0x89: {  	v3 =	vor.u32 v3, v4  }
0x8a: {  	v4 =	vperm.xlane v3, v0;
	_ =	sdelay $0x1  }
0x8b: {  	v4 =	vadd.s32 v1, v4;
	_ =	sdelay $0x3  }
0x8c: {  	v3 =	vperm.xlane v3, v2  }
0x8d: {  	[tilespmem:s4], [sflag:$0x2] =	stream.indirect_vreg.gather [hbm4b:s2+s3], $0x80, v4, vm0, $0xb8;
	[tilespmem:$0x1E100] =	vst v63  }
0x8e: {  	s21 =	simm.s32 $0xF900;
	v3 =	vadd.s32 v1, v3  }
0x8f: {  	[tilespmem:s21], [sflag:$0x2] =	stream.indirect_vreg.gather [hbm4b:s6+s3], $0x80, v4, vm0, $0xb8;
	[tilespmem:$0x1E100] =	vst v63  }
0x90: {  	s22 =	simm.s32 $0x10100  }
0x91: {  	[tilespmem:s22], [sflag:$0x2] =	stream.indirect_vreg.gather [hbm4b:s7+s3], $0x80, v4, vm0, $0xb8;
	[tilespmem:$0x1E100] =	vst v63  }
0x92: {  	s23 =	simm.s32 $0x10900  }
0x93: {  	[tilespmem:s23], [sflag:$0x2] =	stream.indirect_vreg.gather [hbm4b:s2+s3], $0x80, v3, vm0, $0xb8;
	[tilespmem:$0x1E100] =	vst v63  }
0x94: {  	s24 =	simm.s32 $0x11100  }
0x95: {  	[tilespmem:s24], [sflag:$0x2] =	stream.indirect_vreg.gather [hbm4b:s6+s3], $0x80, v3, vm0, $0xb8;
	[tilespmem:$0x1E100] =	vst v63  }
0x96: {  	s25 =	simm.s32 $0x11900  }
0x97: {  	[tilespmem:s25], [sflag:$0x2] =	stream.indirect_vreg.gather [hbm4b:s7+s3], $0x80, v3, vm0, $0xb8;
	[tilespmem:$0x1E100] =	vst v63  }
0x98: {  	v3 =	vld [tilespmem:$0x90];
	_ =	sdelay $0x4  }
0x99: {  	v60 =	vshrl.u32 v3, $0x3  }
0x9a: {  	v4 =	vmul.u32 $0x30, v60  }
0x9b: {  	v3 =	vand.u32 $0x7, v3  }
0x9c: {  	v3 =	vor.u32 v3, v4  }
0x9d: {  	v4 =	vperm.xlane v3, v0;
	_ =	sdelay $0x1  }
0x9e: {  	v4 =	vadd.s32 v1, v4;
	_ =	sdelay $0x3  }
0x9f: {  	s26 =	simm.s32 $0x12100;
	v3 =	vperm.xlane v3, v2  }
0xa0: {  	[tilespmem:s26], [sflag:$0x2] =	stream.indirect_vreg.gather [hbm4b:s2+s3], $0x80, v4, vm0, $0xb8;
	[tilespmem:$0x1E100] =	vst v63  }
0xa1: {  	s5 =	simm.s32 $0x12900;
	v3 =	vadd.s32 v1, v3  }
0xa2: {  	[tilespmem:s5], [sflag:$0x2] =	stream.indirect_vreg.gather [hbm4b:s6+s3], $0x80, v4, vm0, $0xb8;
	[tilespmem:$0x1E100] =	vst v63  }
0xa3: {  	s8 =	simm.s32 $0x13100  }
0xa4: {  	[tilespmem:s8], [sflag:$0x2] =	stream.indirect_vreg.gather [hbm4b:s7+s3], $0x80, v4, vm0, $0xb8;
	[tilespmem:$0x1E100] =	vst v63  }
0xa5: {  	s9 =	simm.s32 $0x13900  }
0xa6: {  	[tilespmem:s9], [sflag:$0x2] =	stream.indirect_vreg.gather [hbm4b:s2+s3], $0x80, v3, vm0, $0xb8;
	[tilespmem:$0x1E100] =	vst v63  }
0xa7: {  	s10 =	simm.s32 $0x14100  }
0xa8: {  	[tilespmem:s10], [sflag:$0x2] =	stream.indirect_vreg.gather [hbm4b:s6+s3], $0x80, v3, vm0, $0xb8;
	[tilespmem:$0x1E100] =	vst v63  }
0xa9: {  	s11 =	simm.s32 $0x14900  }
0xaa: {  	[tilespmem:s11], [sflag:$0x2] =	stream.indirect_vreg.gather [hbm4b:s7+s3], $0x80, v3, vm0, $0xb8;
	[tilespmem:$0x1E100] =	vst v63  }
0xab: {  	v3 =	vld [tilespmem:$0xA0];
	_ =	sdelay $0x4  }
0xac: {  	v61 =	vshrl.u32 v3, $0x3  }
0xad: {  	v4 =	vmul.u32 $0x30, v61  }
0xae: {  	v3 =	vand.u32 $0x7, v3  }
0xaf: {  	v3 =	vor.u32 v3, v4  }
0xb0: {  	v4 =	vperm.xlane v3, v0;
	_ =	sdelay $0x1  }
0xb1: {  	v4 =	vadd.s32 v1, v4;
	_ =	sdelay $0x3  }
0xb2: {  	s12 =	simm.s32 $0x15100;
	v3 =	vperm.xlane v3, v2  }
0xb3: {  	[tilespmem:s12], [sflag:$0x2] =	stream.indirect_vreg.gather [hbm4b:s2+s3], $0x80, v4, vm0, $0xb8;
	[tilespmem:$0x1E100] =	vst v63  }
0xb4: {  	s13 =	simm.s32 $0x15900;
	v3 =	vadd.s32 v1, v3  }
0xb5: {  	[tilespmem:s13], [sflag:$0x2] =	stream.indirect_vreg.gather [hbm4b:s6+s3], $0x80, v4, vm0, $0xb8;
	[tilespmem:$0x1E100] =	vst v63  }
0xb6: {  	s15 =	simm.s32 $0x16100  }
0xb7: {  	[tilespmem:s15], [sflag:$0x2] =	stream.indirect_vreg.gather [hbm4b:s7+s3], $0x80, v4, vm0, $0xb8;
	[tilespmem:$0x1E100] =	vst v63  }
0xb8: {  	s16 =	simm.s32 $0x16900  }
0xb9: {  	[tilespmem:s16], [sflag:$0x2] =	stream.indirect_vreg.gather [hbm4b:s2+s3], $0x80, v3, vm0, $0xb8;
	[tilespmem:$0x1E100] =	vst v63  }
0xba: {  	s17 =	simm.s32 $0x17100  }
0xbb: {  	[tilespmem:s17], [sflag:$0x2] =	stream.indirect_vreg.gather [hbm4b:s6+s3], $0x80, v3, vm0, $0xb8;
	[tilespmem:$0x1E100] =	vst v63  }
0xbc: {  	s18 =	simm.s32 $0x17900  }
0xbd: {  	[tilespmem:s18], [sflag:$0x2] =	stream.indirect_vreg.gather [hbm4b:s7+s3], $0x80, v3, vm0, $0xb8;
	[tilespmem:$0x1E100] =	vst v63  }
0xbe: {  	v3 =	vld [tilespmem:$0xB0];
	_ =	sdelay $0x4  }
0xbf: {  	v62 =	vshrl.u32 v3, $0x3  }
0xc0: {  	v4 =	vmul.u32 $0x30, v62  }
0xc1: {  	v3 =	vand.u32 $0x7, v3  }
0xc2: {  	v3 =	vor.u32 v3, v4  }
0xc3: {  	v4 =	vperm.xlane v3, v0;
	_ =	sdelay $0x1  }
0xc4: {  	v4 =	vadd.s32 v1, v4;
	_ =	sdelay $0x3  }
0xc5: {  	s19 =	simm.s32 $0x18100;
	v3 =	vperm.xlane v3, v2  }
0xc6: {  	[tilespmem:s19], [sflag:$0x2] =	stream.indirect_vreg.gather [hbm4b:s2+s3], $0x80, v4, vm0, $0xb8;
	[tilespmem:$0x1E100] =	vst v63  }
0xc7: {  	s20 =	simm.s32 $0x18900;
	v3 =	vadd.s32 v1, v3  }
0xc8: {  	[tilespmem:s20], [sflag:$0x2] =	stream.indirect_vreg.gather [hbm4b:s6+s3], $0x80, v4, vm0, $0xb8;
	[tilespmem:$0x1E100] =	vst v63  }
0xc9: {  	s21 =	simm.s32 $0x19100  }
0xca: {  	[tilespmem:s21], [sflag:$0x2] =	stream.indirect_vreg.gather [hbm4b:s7+s3], $0x80, v4, vm0, $0xb8;
	[tilespmem:$0x1E100] =	vst v63  }
0xcb: {  	s22 =	simm.s32 $0x19900  }
0xcc: {  	[tilespmem:s22], [sflag:$0x2] =	stream.indirect_vreg.gather [hbm4b:s2+s3], $0x80, v3, vm0, $0xb8;
	[tilespmem:$0x1E100] =	vst v63  }
0xcd: {  	s23 =	simm.s32 $0x1A100  }
0xce: {  	[tilespmem:s23], [sflag:$0x2] =	stream.indirect_vreg.gather [hbm4b:s6+s3], $0x80, v3, vm0, $0xb8;
	[tilespmem:$0x1E100] =	vst v63  }
0xcf: {  	s24 =	simm.s32 $0x1A900  }
0xd0: {  	[tilespmem:s24], [sflag:$0x2] =	stream.indirect_vreg.gather [hbm4b:s7+s3], $0x80, v3, vm0, $0xb8;
	[tilespmem:$0x1E100] =	vst v63  }
0xd1: {  	v3 =	vld [tilespmem:$0xC0];
	_ =	sdelay $0x4  }
0xd2: {  	v63 =	vshrl.u32 v3, $0x3  }
0xd3: {  	v4 =	vmul.u32 $0x30, v63  }
0xd4: {  	v3 =	vand.u32 $0x7, v3  }
0xd5: {  	v3 =	vor.u32 v3, v4  }
0xd6: {  	v4 =	vperm.xlane v3, v0;
	_ =	sdelay $0x1  }
0xd7: {  	v4 =	vadd.s32 v1, v4;
	_ =	sdelay $0x2  }
0xd8: {  	s28 =	simm.s32 $0x7100;
	s29 =	simm.s32 $0x7900  }
0xd9: {  	s25 =	simm.s32 $0x1B100;
	s26 =	simm.s32 $0x1B900;
	s8 =	rddreg [dreg:$0xb];
	v3 =	vperm.xlane v3, v2  }
0xda: {  	[tilespmem:s25], [sflag:$0x2] =	stream.indirect_vreg.gather [hbm4b:s2+s3], $0x80, v4, vm0, $0xb8;
	[tilespmem:$0x1E100] =	vst v63  }
0xdb: {  	s9 =	rddreg [dreg:$0xa];
	s10 =	simm.s32 $0x0;
	s11 =	simm.s32 $0x9900;
	v3 =	vadd.s32 v1, v3  }
0xdc: {  	[tilespmem:s26], [sflag:$0x2] =	stream.indirect_vreg.gather [hbm4b:s6+s3], $0x80, v4, vm0, $0xb8;
	[tilespmem:$0x1E100] =	vst v63  }
0xdd: {  	s12 =	simm.s32 $0x1C900;
	s13 =	simm.s32 $0x1900;
	s17 =	simm.s32 $0x1C100  }
0xde: {  	[tilespmem:s17], [sflag:$0x2] =	stream.indirect_vreg.gather [hbm4b:s7+s3], $0x80, v4, vm0, $0xb8;
	[tilespmem:$0x1E100] =	vst v63  }
0xdf: {  	s15 =	rddreg [dreg:$0xc];
	s16 =	simm.s32 $0x8900;
	s18 =	simm.s32 $0x1D900  }
0xe0: {  	[tilespmem:s12], [sflag:$0x2] =	stream.indirect_vreg.gather [hbm4b:s2+s3], $0x80, v3, vm0, $0xb8;
	[tilespmem:$0x1E100] =	vst v63  }
0xe1: {  	s19 =	simm.s32 $0xA100;
	s20 =	simm.s32 $0x4100;
	s23 =	simm.s32 $0x1D100  }
0xe2: {  	[tilespmem:s23], [sflag:$0x2] =	stream.indirect_vreg.gather [hbm4b:s6+s3], $0x80, v3, vm0, $0xb8;
	[tilespmem:$0x1E100] =	vst v63  }
0xe3: {  	s21 =	simm.s32 $0x4900;
	s24 =	simm.s32 $0x5900;
	s25 =	simm.s32 $0x6100  }
0xe4: {  	[tilespmem:s18], [sflag:$0x2] =	stream.indirect_vreg.gather [hbm4b:s7+s3], $0x80, v3, vm0, $0xb8;
	[tilespmem:$0x1E100] =	vst v63  }
.LBB2_2:
0xe5: {  	_ =	swait.ge [sflag:s30], $0xF000  }
0xe6: {  	s4 =	simm.s32 $0x100;
	s5 =	rddreg [dreg:$0x4];
	[sflag:s30] =	ssyncset.done $0x0  }
0xe7: {  	s22 =	sshrl.u32 s8, $0x3;
	[sflag:s30] =	ssyncadd.s32 $0xFFFF1000;
	s5 =	sadd.s32 s10, s5  }
0xe8: {  	[hbm4b:s5+s3] =	stream.linear.scatter [tilespmem:s4], [sflag:$0x3], $0xF000, $0x38;
	[tilespmem:$0x1E100] =	vst v63  }
0xe9: {  	s5 =	sadd.s32 s15, s22  }
0xea: {  	[tilespmem:s3], [sflag:$0x5] =	stream.linear.gather [hbm4b:s5+s3], $0x50, $0x38;
	[tilespmem:$0x1E100] =	vst v63  }
0xeb: {  	_ =	swait.ge [sflag:s14], $0x50  }
0xec: {  	[sflag:s14] =	ssyncset.done $0x0  }
0xed: {  	[sflag:s14] =	ssyncadd.s32 $0xFFFFFFB0  }
0xee: {  	_ =	swait.ge [sflag:s31], $0xF000  }
0xef: {  	[sflag:s31] =	ssyncset.done $0x0  }
0xf0: {  	[sflag:s31] =	ssyncadd.s32 $0xFFFF1000  }
0xf1: {  	v3 =	vld [tilespmem:$0x0];
	_ =	sdelay $0x4  }
0xf2: {  	v4 =	vshrl.u32 v3, $0x3  }
0xf3: {  	v4 =	vmul.u32 $0x30, v4  }
0xf4: {  	v3 =	vand.u32 $0x7, v3  }
0xf5: {  	v3 =	vor.u32 v3, v4  }
0xf6: {  	v4 =	vperm.xlane v3, v0;
	_ =	sdelay $0x1  }
0xf7: {  	v4 =	vadd.s32 v1, v4;
	_ =	sdelay $0x3  }
0xf8: {  	v3 =	vperm.xlane v3, v2  }
0xf9: {  	[tilespmem:s4], [sflag:$0x1] =	stream.indirect_vreg.gather [hbm4b:s2+s3], $0x80, v4, vm0, $0xb8;
	[tilespmem:$0x1E100] =	vst v63  }
0xfa: {  	s26 =	simm.s32 $0x900;
	v3 =	vadd.s32 v1, v3  }
0xfb: {  	[tilespmem:s26], [sflag:$0x1] =	stream.indirect_vreg.gather [hbm4b:s6+s3], $0x80, v4, vm0, $0xb8;
	[tilespmem:$0x1E100] =	vst v63  }
0xfc: {  	s5 =	simm.s32 $0x1100  }
0xfd: {  	[tilespmem:s5], [sflag:$0x1] =	stream.indirect_vreg.gather [hbm4b:s7+s3], $0x80, v4, vm0, $0xb8;
	[tilespmem:$0x1E100] =	vst v63  }
0xfe: {  	_ = 	snop  }
0xff: {  	[tilespmem:s13], [sflag:$0x1] =	stream.indirect_vreg.gather [hbm4b:s2+s3], $0x80, v3, vm0, $0xb8;
	[tilespmem:$0x1E100] =	vst v63  }
0x100: {  	s26 =	simm.s32 $0x2100  }
0x101: {  	[tilespmem:s26], [sflag:$0x1] =	stream.indirect_vreg.gather [hbm4b:s6+s3], $0x80, v3, vm0, $0xb8;
	[tilespmem:$0x1E100] =	vst v63  }
0x102: {  	s5 =	simm.s32 $0x2900  }
0x103: {  	[tilespmem:s5], [sflag:$0x1] =	stream.indirect_vreg.gather [hbm4b:s7+s3], $0x80, v3, vm0, $0xb8;
	[tilespmem:$0x1E100] =	vst v63  }
0x104: {  	v3 =	vld [tilespmem:$0x10];
	_ =	sdelay $0x4  }
0x105: {  	v55 =	vshrl.u32 v3, $0x3  }
0x106: {  	v4 =	vmul.u32 $0x30, v55  }
0x107: {  	v3 =	vand.u32 $0x7, v3  }
0x108: {  	v3 =	vor.u32 v3, v4  }
0x109: {  	v4 =	vperm.xlane v3, v0;
	_ =	sdelay $0x1  }
0x10a: {  	v4 =	vadd.s32 v1, v4;
	_ =	sdelay $0x3  }
0x10b: {  	s26 =	simm.s32 $0x3100;
	v3 =	vperm.xlane v3, v2  }
0x10c: {  	[tilespmem:s26], [sflag:$0x1] =	stream.indirect_vreg.gather [hbm4b:s2+s3], $0x80, v4, vm0, $0xb8;
	[tilespmem:$0x1E100] =	vst v63  }
0x10d: {  	s5 =	simm.s32 $0x3900;
	v3 =	vadd.s32 v1, v3  }
0x10e: {  	[tilespmem:s5], [sflag:$0x1] =	stream.indirect_vreg.gather [hbm4b:s6+s3], $0x80, v4, vm0, $0xb8;
	[tilespmem:$0x1E100] =	vst v63  }
0x10f: {  	_ = 	snop  }
0x110: {  	[tilespmem:s20], [sflag:$0x1] =	stream.indirect_vreg.gather [hbm4b:s7+s3], $0x80, v4, vm0, $0xb8;
	[tilespmem:$0x1E100] =	vst v63  }
0x111: {  	_ = 	snop  }
0x112: {  	[tilespmem:s21], [sflag:$0x1] =	stream.indirect_vreg.gather [hbm4b:s2+s3], $0x80, v3, vm0, $0xb8;
	[tilespmem:$0x1E100] =	vst v63  }
0x113: {  	s26 =	simm.s32 $0x5100  }
0x114: {  	[tilespmem:s26], [sflag:$0x1] =	stream.indirect_vreg.gather [hbm4b:s6+s3], $0x80, v3, vm0, $0xb8;
	[tilespmem:$0x1E100] =	vst v63  }
0x115: {  	_ = 	snop  }
0x116: {  	[tilespmem:s24], [sflag:$0x1] =	stream.indirect_vreg.gather [hbm4b:s7+s3], $0x80, v3, vm0, $0xb8;
	[tilespmem:$0x1E100] =	vst v63  }
0x117: {  	v3 =	vld [tilespmem:$0x20];
	_ =	sdelay $0x4  }
0x118: {  	v56 =	vshrl.u32 v3, $0x3  }
0x119: {  	v4 =	vmul.u32 $0x30, v56  }
0x11a: {  	v3 =	vand.u32 $0x7, v3  }
0x11b: {  	v3 =	vor.u32 v3, v4  }
0x11c: {  	v4 =	vperm.xlane v3, v0;
	_ =	sdelay $0x1  }
0x11d: {  	v4 =	vadd.s32 v1, v4;
	_ =	sdelay $0x3  }
0x11e: {  	v3 =	vperm.xlane v3, v2  }
0x11f: {  	[tilespmem:s25], [sflag:$0x1] =	stream.indirect_vreg.gather [hbm4b:s2+s3], $0x80, v4, vm0, $0xb8;
	[tilespmem:$0x1E100] =	vst v63  }
0x120: {  	s5 =	simm.s32 $0x6900;
	v3 =	vadd.s32 v1, v3  }
0x121: {  	[tilespmem:s5], [sflag:$0x1] =	stream.indirect_vreg.gather [hbm4b:s6+s3], $0x80, v4, vm0, $0xb8;
	[tilespmem:$0x1E100] =	vst v63  }
0x122: {  	_ = 	snop  }
0x123: {  	[tilespmem:s28], [sflag:$0x1] =	stream.indirect_vreg.gather [hbm4b:s7+s3], $0x80, v4, vm0, $0xb8;
	[tilespmem:$0x1E100] =	vst v63  }
0x124: {  	_ = 	snop  }
0x125: {  	[tilespmem:s29], [sflag:$0x1] =	stream.indirect_vreg.gather [hbm4b:s2+s3], $0x80, v3, vm0, $0xb8;
	[tilespmem:$0x1E100] =	vst v63  }
0x126: {  	s26 =	simm.s32 $0x8100  }
0x127: {  	[tilespmem:s26], [sflag:$0x1] =	stream.indirect_vreg.gather [hbm4b:s6+s3], $0x80, v3, vm0, $0xb8;
	[tilespmem:$0x1E100] =	vst v63  }
0x128: {  	_ = 	snop  }
0x129: {  	[tilespmem:s16], [sflag:$0x1] =	stream.indirect_vreg.gather [hbm4b:s7+s3], $0x80, v3, vm0, $0xb8;
	[tilespmem:$0x1E100] =	vst v63  }
0x12a: {  	v3 =	vld [tilespmem:$0x30];
	_ =	sdelay $0x4  }
0x12b: {  	v57 =	vshrl.u32 v3, $0x3  }
0x12c: {  	v4 =	vmul.u32 $0x30, v57  }
0x12d: {  	v3 =	vand.u32 $0x7, v3  }
0x12e: {  	v3 =	vor.u32 v3, v4  }
0x12f: {  	v4 =	vperm.xlane v3, v0;
	_ =	sdelay $0x1  }
0x130: {  	v4 =	vadd.s32 v1, v4;
	_ =	sdelay $0x3  }
0x131: {  	s5 =	simm.s32 $0x9100;
	v3 =	vperm.xlane v3, v2  }
0x132: {  	[tilespmem:s5], [sflag:$0x1] =	stream.indirect_vreg.gather [hbm4b:s2+s3], $0x80, v4, vm0, $0xb8;
	[tilespmem:$0x1E100] =	vst v63  }
0x133: {  	v3 =	vadd.s32 v1, v3  }
0x134: {  	[tilespmem:s11], [sflag:$0x1] =	stream.indirect_vreg.gather [hbm4b:s6+s3], $0x80, v4, vm0, $0xb8;
	[tilespmem:$0x1E100] =	vst v63  }
0x135: {  	_ = 	snop  }
0x136: {  	[tilespmem:s19], [sflag:$0x1] =	stream.indirect_vreg.gather [hbm4b:s7+s3], $0x80, v4, vm0, $0xb8;
	[tilespmem:$0x1E100] =	vst v63  }
0x137: {  	s26 =	simm.s32 $0xA900  }
0x138: {  	[tilespmem:s26], [sflag:$0x1] =	stream.indirect_vreg.gather [hbm4b:s2+s3], $0x80, v3, vm0, $0xb8;
	[tilespmem:$0x1E100] =	vst v63  }
0x139: {  	s5 =	simm.s32 $0xB100  }
0x13a: {  	[tilespmem:s5], [sflag:$0x1] =	stream.indirect_vreg.gather [hbm4b:s6+s3], $0x80, v3, vm0, $0xb8;
	[tilespmem:$0x1E100] =	vst v63  }
0x13b: {  	s26 =	simm.s32 $0xB900  }
0x13c: {  	[tilespmem:s26], [sflag:$0x1] =	stream.indirect_vreg.gather [hbm4b:s7+s3], $0x80, v3, vm0, $0xb8;
	[tilespmem:$0x1E100] =	vst v63  }
0x13d: {  	v3 =	vld [tilespmem:$0x40];
	_ =	sdelay $0x4  }
0x13e: {  	v58 =	vshrl.u32 v3, $0x3  }
0x13f: {  	v4 =	vmul.u32 $0x30, v58  }
0x140: {  	v3 =	vand.u32 $0x7, v3  }
0x141: {  	v3 =	vor.u32 v3, v4  }
0x142: {  	v4 =	vperm.xlane v3, v0;
	_ =	sdelay $0x1  }
0x143: {  	v4 =	vadd.s32 v1, v4;
	_ =	sdelay $0x3  }
0x144: {  	s5 =	simm.s32 $0xC100;
	v3 =	vperm.xlane v3, v2  }
0x145: {  	[tilespmem:s5], [sflag:$0x1] =	stream.indirect_vreg.gather [hbm4b:s2+s3], $0x80, v4, vm0, $0xb8;
	[tilespmem:$0x1E100] =	vst v63  }
0x146: {  	s26 =	simm.s32 $0xC900;
	v3 =	vadd.s32 v1, v3  }
0x147: {  	[tilespmem:s26], [sflag:$0x1] =	stream.indirect_vreg.gather [hbm4b:s6+s3], $0x80, v4, vm0, $0xb8;
	[tilespmem:$0x1E100] =	vst v63  }
0x148: {  	s5 =	simm.s32 $0xD100  }
0x149: {  	[tilespmem:s5], [sflag:$0x1] =	stream.indirect_vreg.gather [hbm4b:s7+s3], $0x80, v4, vm0, $0xb8;
	[tilespmem:$0x1E100] =	vst v63  }
0x14a: {  	s26 =	simm.s32 $0xD900  }
0x14b: {  	[tilespmem:s26], [sflag:$0x1] =	stream.indirect_vreg.gather [hbm4b:s2+s3], $0x80, v3, vm0, $0xb8;
	[tilespmem:$0x1E100] =	vst v63  }
0x14c: {  	s5 =	simm.s32 $0xE100  }
0x14d: {  	[tilespmem:s5], [sflag:$0x1] =	stream.indirect_vreg.gather [hbm4b:s6+s3], $0x80, v3, vm0, $0xb8;
	[tilespmem:$0x1E100] =	vst v63  }
0x14e: {  	s26 =	simm.s32 $0xE900  }
0x14f: {  	[tilespmem:s26], [sflag:$0x1] =	stream.indirect_vreg.gather [hbm4b:s7+s3], $0x80, v3, vm0, $0xb8;
	[tilespmem:$0x1E100] =	vst v63  }
0x150: {  	_ =	swait.ge [sflag:s1], $0xF000  }
0x151: {  	s4 =	rddreg [dreg:$0x3];
	[sflag:s1] =	ssyncset.done $0x0  }
0x152: {  	s26 =	simm.s32 $0xF100;
	[sflag:s1] =	ssyncadd.s32 $0xFFFF1000;
	s5 =	sadd.s32 s10, s4  }
0x153: {  	[hbm4b:s5+s3] =	stream.linear.scatter [tilespmem:s26], [sflag:$0x4], $0xF000, $0x38;
	[tilespmem:$0x1E100] =	vst v63  }
0x154: {  	s5 =	simm.s32 $0x80  }
0x155: {  	[tilespmem:s5], [sflag:$0x5] =	stream.linear.gather [hbm4b:s9+s3], $0x50, $0x38;
	[tilespmem:$0x1E100] =	vst v63  }
0x156: {  	_ =	swait.ge [sflag:s14], $0x50  }
0x157: {  	[sflag:s14] =	ssyncset.done $0x0  }
0x158: {  	[sflag:s14] =	ssyncadd.s32 $0xFFFFFFB0  }
0x159: {  	_ =	swait.ge [sflag:s0], $0xF000  }
0x15a: {  	[sflag:s0] =	ssyncset.done $0x0  }
0x15b: {  	[sflag:s0] =	ssyncadd.s32 $0xFFFF1000  }
0x15c: {  	v3 =	vld [tilespmem:$0x80];
	_ =	sdelay $0x4  }
0x15d: {  	v59 =	vshrl.u32 v3, $0x3  }
0x15e: {  	v4 =	vmul.u32 $0x30, v59  }
0x15f: {  	v3 =	vand.u32 $0x7, v3  }
0x160: {  	v3 =	vor.u32 v3, v4  }
0x161: {  	v4 =	vperm.xlane v3, v0;
	_ =	sdelay $0x1  }
0x162: {  	v4 =	vadd.s32 v1, v4;
	_ =	sdelay $0x3  }
0x163: {  	v3 =	vperm.xlane v3, v2  }
0x164: {  	[tilespmem:s26], [sflag:$0x2] =	stream.indirect_vreg.gather [hbm4b:s2+s3], $0x80, v4, vm0, $0xb8;
	[tilespmem:$0x1E100] =	vst v63  }
0x165: {  	v3 =	vadd.s32 v1, v3;
	s26 =	simm.s32 $0xF900  }
0x166: {  	[tilespmem:s26], [sflag:$0x2] =	stream.indirect_vreg.gather [hbm4b:s6+s3], $0x80, v4, vm0, $0xb8;
	[tilespmem:$0x1E100] =	vst v63  }
0x167: {  	s26 =	simm.s32 $0x10100  }
0x168: {  	[tilespmem:s26], [sflag:$0x2] =	stream.indirect_vreg.gather [hbm4b:s7+s3], $0x80, v4, vm0, $0xb8;
	[tilespmem:$0x1E100] =	vst v63  }
0x169: {  	s26 =	simm.s32 $0x10900  }
0x16a: {  	[tilespmem:s26], [sflag:$0x2] =	stream.indirect_vreg.gather [hbm4b:s2+s3], $0x80, v3, vm0, $0xb8;
	[tilespmem:$0x1E100] =	vst v63  }
0x16b: {  	s26 =	simm.s32 $0x11100  }
0x16c: {  	[tilespmem:s26], [sflag:$0x2] =	stream.indirect_vreg.gather [hbm4b:s6+s3], $0x80, v3, vm0, $0xb8;
	[tilespmem:$0x1E100] =	vst v63  }
0x16d: {  	s26 =	simm.s32 $0x11900  }
0x16e: {  	[tilespmem:s26], [sflag:$0x2] =	stream.indirect_vreg.gather [hbm4b:s7+s3], $0x80, v3, vm0, $0xb8;
	[tilespmem:$0x1E100] =	vst v63  }
0x16f: {  	v3 =	vld [tilespmem:$0x90];
	_ =	sdelay $0x4  }
0x170: {  	v60 =	vshrl.u32 v3, $0x3  }
0x171: {  	v4 =	vmul.u32 $0x30, v60  }
0x172: {  	v3 =	vand.u32 $0x7, v3  }
0x173: {  	v3 =	vor.u32 v3, v4  }
0x174: {  	v4 =	vperm.xlane v3, v0;
	_ =	sdelay $0x1  }
0x175: {  	v4 =	vadd.s32 v1, v4;
	_ =	sdelay $0x3  }
0x176: {  	s26 =	simm.s32 $0x12100;
	v3 =	vperm.xlane v3, v2  }
0x177: {  	[tilespmem:s26], [sflag:$0x2] =	stream.indirect_vreg.gather [hbm4b:s2+s3], $0x80, v4, vm0, $0xb8;
	[tilespmem:$0x1E100] =	vst v63  }
0x178: {  	v3 =	vadd.s32 v1, v3;
	s26 =	simm.s32 $0x12900  }
0x179: {  	[tilespmem:s26], [sflag:$0x2] =	stream.indirect_vreg.gather [hbm4b:s6+s3], $0x80, v4, vm0, $0xb8;
	[tilespmem:$0x1E100] =	vst v63  }
0x17a: {  	s26 =	simm.s32 $0x13100  }
0x17b: {  	[tilespmem:s26], [sflag:$0x2] =	stream.indirect_vreg.gather [hbm4b:s7+s3], $0x80, v4, vm0, $0xb8;
	[tilespmem:$0x1E100] =	vst v63  }
0x17c: {  	s26 =	simm.s32 $0x13900  }
0x17d: {  	[tilespmem:s26], [sflag:$0x2] =	stream.indirect_vreg.gather [hbm4b:s2+s3], $0x80, v3, vm0, $0xb8;
	[tilespmem:$0x1E100] =	vst v63  }
0x17e: {  	s26 =	simm.s32 $0x14100  }
0x17f: {  	[tilespmem:s26], [sflag:$0x2] =	stream.indirect_vreg.gather [hbm4b:s6+s3], $0x80, v3, vm0, $0xb8;
	[tilespmem:$0x1E100] =	vst v63  }
0x180: {  	s26 =	simm.s32 $0x14900  }
0x181: {  	[tilespmem:s26], [sflag:$0x2] =	stream.indirect_vreg.gather [hbm4b:s7+s3], $0x80, v3, vm0, $0xb8;
	[tilespmem:$0x1E100] =	vst v63  }
0x182: {  	v3 =	vld [tilespmem:$0xA0];
	_ =	sdelay $0x4  }
0x183: {  	v61 =	vshrl.u32 v3, $0x3  }
0x184: {  	v4 =	vmul.u32 $0x30, v61  }
0x185: {  	v3 =	vand.u32 $0x7, v3  }
0x186: {  	v3 =	vor.u32 v3, v4  }
0x187: {  	v4 =	vperm.xlane v3, v0;
	_ =	sdelay $0x1  }
0x188: {  	v4 =	vadd.s32 v1, v4;
	_ =	sdelay $0x3  }
0x189: {  	s26 =	simm.s32 $0x15100;
	v3 =	vperm.xlane v3, v2  }
0x18a: {  	[tilespmem:s26], [sflag:$0x2] =	stream.indirect_vreg.gather [hbm4b:s2+s3], $0x80, v4, vm0, $0xb8;
	[tilespmem:$0x1E100] =	vst v63  }
0x18b: {  	v3 =	vadd.s32 v1, v3;
	s26 =	simm.s32 $0x15900  }
0x18c: {  	[tilespmem:s26], [sflag:$0x2] =	stream.indirect_vreg.gather [hbm4b:s6+s3], $0x80, v4, vm0, $0xb8;
	[tilespmem:$0x1E100] =	vst v63  }
0x18d: {  	s26 =	simm.s32 $0x16100  }
0x18e: {  	[tilespmem:s26], [sflag:$0x2] =	stream.indirect_vreg.gather [hbm4b:s7+s3], $0x80, v4, vm0, $0xb8;
	[tilespmem:$0x1E100] =	vst v63  }
0x18f: {  	s26 =	simm.s32 $0x16900  }
0x190: {  	[tilespmem:s26], [sflag:$0x2] =	stream.indirect_vreg.gather [hbm4b:s2+s3], $0x80, v3, vm0, $0xb8;
	[tilespmem:$0x1E100] =	vst v63  }
0x191: {  	s26 =	simm.s32 $0x17100  }
0x192: {  	[tilespmem:s26], [sflag:$0x2] =	stream.indirect_vreg.gather [hbm4b:s6+s3], $0x80, v3, vm0, $0xb8;
	[tilespmem:$0x1E100] =	vst v63  }
0x193: {  	s26 =	simm.s32 $0x17900  }
0x194: {  	[tilespmem:s26], [sflag:$0x2] =	stream.indirect_vreg.gather [hbm4b:s7+s3], $0x80, v3, vm0, $0xb8;
	[tilespmem:$0x1E100] =	vst v63  }
0x195: {  	v3 =	vld [tilespmem:$0xB0];
	_ =	sdelay $0x4  }
0x196: {  	v62 =	vshrl.u32 v3, $0x3  }
0x197: {  	v4 =	vmul.u32 $0x30, v62  }
0x198: {  	v3 =	vand.u32 $0x7, v3  }
0x199: {  	v3 =	vor.u32 v3, v4  }
0x19a: {  	v4 =	vperm.xlane v3, v0;
	_ =	sdelay $0x1  }
0x19b: {  	v4 =	vadd.s32 v1, v4;
	_ =	sdelay $0x3  }
0x19c: {  	s26 =	simm.s32 $0x18100;
	v3 =	vperm.xlane v3, v2  }
0x19d: {  	[tilespmem:s26], [sflag:$0x2] =	stream.indirect_vreg.gather [hbm4b:s2+s3], $0x80, v4, vm0, $0xb8;
	[tilespmem:$0x1E100] =	vst v63  }
0x19e: {  	v3 =	vadd.s32 v1, v3;
	s26 =	simm.s32 $0x18900  }
0x19f: {  	[tilespmem:s26], [sflag:$0x2] =	stream.indirect_vreg.gather [hbm4b:s6+s3], $0x80, v4, vm0, $0xb8;
	[tilespmem:$0x1E100] =	vst v63  }
0x1a0: {  	s26 =	simm.s32 $0x19100  }
0x1a1: {  	[tilespmem:s26], [sflag:$0x2] =	stream.indirect_vreg.gather [hbm4b:s7+s3], $0x80, v4, vm0, $0xb8;
	[tilespmem:$0x1E100] =	vst v63  }
0x1a2: {  	s26 =	simm.s32 $0x19900  }
0x1a3: {  	[tilespmem:s26], [sflag:$0x2] =	stream.indirect_vreg.gather [hbm4b:s2+s3], $0x80, v3, vm0, $0xb8;
	[tilespmem:$0x1E100] =	vst v63  }
0x1a4: {  	s26 =	simm.s32 $0x1A100  }
0x1a5: {  	[tilespmem:s26], [sflag:$0x2] =	stream.indirect_vreg.gather [hbm4b:s6+s3], $0x80, v3, vm0, $0xb8;
	[tilespmem:$0x1E100] =	vst v63  }
0x1a6: {  	s26 =	simm.s32 $0x1A900  }
0x1a7: {  	[tilespmem:s26], [sflag:$0x2] =	stream.indirect_vreg.gather [hbm4b:s7+s3], $0x80, v3, vm0, $0xb8;
	[tilespmem:$0x1E100] =	vst v63  }
0x1a8: {  	v3 =	vld [tilespmem:$0xC0];
	_ =	sdelay $0x4  }
0x1a9: {  	v63 =	vshrl.u32 v3, $0x3  }
0x1aa: {  	v4 =	vmul.u32 $0x30, v63  }
0x1ab: {  	v3 =	vand.u32 $0x7, v3  }
0x1ac: {  	v3 =	vor.u32 v3, v4  }
0x1ad: {  	v4 =	vperm.xlane v3, v0;
	_ =	sdelay $0x1  }
0x1ae: {  	v4 =	vadd.s32 v1, v4;
	_ =	sdelay $0x3  }
0x1af: {  	s26 =	simm.s32 $0x1B100;
	v3 =	vperm.xlane v3, v2  }
0x1b0: {  	[tilespmem:s26], [sflag:$0x2] =	stream.indirect_vreg.gather [hbm4b:s2+s3], $0x80, v4, vm0, $0xb8;
	[tilespmem:$0x1E100] =	vst v63  }
0x1b1: {  	v3 =	vadd.s32 v1, v3;
	s26 =	simm.s32 $0x1B900  }
0x1b2: {  	[tilespmem:s26], [sflag:$0x2] =	stream.indirect_vreg.gather [hbm4b:s6+s3], $0x80, v4, vm0, $0xb8;
	[tilespmem:$0x1E100] =	vst v63  }
0x1b3: {  	_ = 	snop  }
0x1b4: {  	[tilespmem:s17], [sflag:$0x2] =	stream.indirect_vreg.gather [hbm4b:s7+s3], $0x80, v4, vm0, $0xb8;
	[tilespmem:$0x1E100] =	vst v63  }
0x1b5: {  	p0 =	sne.s32 s10, $0x1E000  }
0x1b6: {  	[tilespmem:s12], [sflag:$0x2] =	stream.indirect_vreg.gather [hbm4b:s2+s3], $0x80, v3, vm0, $0xb8;
	[tilespmem:$0x1E100] =	vst v63  }
.Ltmp0:
0x1b7: {  	_ = 	snop;
	(pc) =	sbr.rel @p0 .LBB2_2-.Ltmp0, $4  }
0x1b8: {  	s8 =	sadd.s32 $0xA0, s8;
	s22 =	simm.s32 $0x100  }
0x1b9: {  	[tilespmem:s23], [sflag:$0x2] =	stream.indirect_vreg.gather [hbm4b:s6+s3], $0x80, v3, vm0, $0xb8;
	[tilespmem:$0x1E100] =	vst v63  }
0x1ba: {  	s4 =	simm.s32 $0xF100;
	s10 =	sadd.s32 $0x3C00, s10;
	s9 =	sadd.s32 $0x14, s9  }
0x1bb: {  	[tilespmem:s18], [sflag:$0x2] =	stream.indirect_vreg.gather [hbm4b:s7+s3], $0x80, v3, vm0, $0xb8;
	[tilespmem:$0x1E100] =	vst v63  }
0x1bc: {  	_ =	swait.ge [sflag:s30], $0xF000  }
0x1bd: {  	[sflag:s30] =	ssyncset.done $0x0  }
0x1be: {  	s5 =	rddreg [dreg:$0x7];
	[sflag:s30] =	ssyncadd.s32 $0xFFFF1000  }
0x1bf: {  	[hbm4b:s5+s3] =	stream.linear.scatter [tilespmem:s22], [sflag:$0x5], $0xF000, $0x38;
	[tilespmem:$0x1E100] =	vst v63  }
0x1c0: {  	_ =	swait.ge [sflag:s14], $0xF000  }
0x1c1: {  	[sflag:s14] =	ssyncset.done $0x0  }
0x1c2: {  	[sflag:s14] =	ssyncadd.s32 $0xFFFF1000  }
0x1c3: {  	_ =	swait.ge [sflag:s1], $0xF000  }
0x1c4: {  	[sflag:s1] =	ssyncset.done $0x0  }
0x1c5: {  	s9 =	simm.s32 $0x1100;
	s25 =	rddreg [dreg:$0x8];
	[sflag:s1] =	ssyncadd.s32 $0xFFFF1000  }
0x1c6: {  	[hbm4b:s25+s3] =	stream.linear.scatter [tilespmem:s4], [sflag:$0x5], $0xF000, $0x38;
	[tilespmem:$0x1E100] =	vst v63  }
0x1c7: {  	s10 =	simm.s32 $0x1900;
	s11 =	simm.s32 $0x2100;
	_ =	swait.ge [sflag:s14], $0xF000  }
0x1c8: {  	s12 =	simm.s32 $0x2900;
	s13 =	simm.s32 $0x3100;
	s8 =	rddreg [dreg:$0xd]  }
0x1c9: {  	s16 =	simm.s32 $0x3900;
	s26 =	rddreg [dreg:$0x9];
	s8 =	sadd.s32 $0x1, s8  }
0x1ca: {  	s17 =	simm.s32 $0x4100;
	s18 =	simm.s32 $0x4900;
	p0 =	sne.s32 s8, s26  }
.Ltmp1:
0x1cb: {  	s19 =	simm.s32 $0x5100;
	s20 =	simm.s32 $0x5900;
	(pc) =	sbr.rel @p0 .LBB2_1-.Ltmp1, $4  }
0x1cc: {  	s21 =	simm.s32 $0x6100;
	s23 =	simm.s32 $0x6900;
	s24 =	simm.s32 $0x7100  }
0x1cd: {  	s28 =	simm.s32 $0x8100;
	s15 =	simm.s32 $0x8900;
	[sflag:s14] =	ssyncset.done $0x0  }
0x1ce: {  	s29 =	simm.s32 $0xA100;
	s25 =	simm.s32 $0x7900;
	[sflag:s14] =	ssyncadd.s32 $0xFFFF1000  }
0x1cf: {  	[dreg:$0xd] =	wrdreg s8;
	s8 =	simm.s32 $0x900;
	s26 =	simm.s32 $0x9100  }
0x1d0: {  	_ =	sfence.sel $0x180000  }
0x1d1: {  	[bflag:$0x0] =	sbarrier.arrive $0xFFFF  }
0x1d2: {  	_ =	strace $0x90000047  }
0x1d3: {  	s0 =	stileid.u32;
	[bflag:$0x2] =	sbarrier.arrive $0xFFFF  }
0x1d4: {  	p0 =	sne.s32 s0, $0x0;
	s0 =	rddreg [dreg:$0x2]  }
0x1d5: {  	s0 =	sadd.s32 @!p0 $0x100000, s0  }
0x1d6: {  	[sflag:s0] =	ssyncadd.tile.s32 @!p0 $0x1;
	_ =	shalt  }
.Lfunc_end2:
_tile_overlayer_lowered:
.L_overlay_start_2:
0x1d7: {  	(tag) =	ssettag $0x2  }
0x1d8: {  	s0 =	rddreg [dreg:$0x0];
	s2 =	stileid.u32  }
0x1d9: {  	s1 =	rddreg [dreg:$0x1];
	p0 =	sne.s32 s2, $0x0  }
0x1da: {  	s3 =	rddreg [dreg:$0x2];
	[bflag:$0x3] =	sbarrier.arrive $0xFFFF;
	s2 =	simm.s32 @!p0 $0x1C05  }
0x1db: {  	[timem:s3], [sflag:s2] =	dma.local @!p0 [hbm:s0], s1  }
0x1dc: {  	s0 =	simm.s32 @!p0 $0x5  }
0x1dd: {  	_ =	swait.ge @!p0 [sflag:s0], s1  }
0x1de: {  	s1 =	ssub.s32 @!p0 $0x0, s1;
	[sflag:s0] =	ssyncset.done @!p0 $0x0  }
0x1df: {  	[sflag:s0] =	ssyncadd.s32 @!p0 s1  }
0x1e0: {  	[bflag:$0x3] =	sbarrier.arrive $0xFFFF  }
0x1e1: {  	_ =	shalt  }

// kernel: kernel.9.cloned.1.call-start
scs
__scs_entry_jumppad:
0x0: {  	(pc) =	sbr.rel $0x88, $3  }
0x1: {  	(tag) =	ssettag $0x0;
	lr =	simm.s32 $0x1  }
0x2: {  	[smem:$0x3F96] =	sst lr;
	_ =	strace $0xD0000000  }
0x3: {  	_ = 	snop  }
0x4: {  	_ = 	snop  }
0x5: {  	_ = 	snop  }
0x6: {  	_ = 	snop  }
0x7: {  	_ = 	snop  }
__scs_overlays_trampoline_lowered:
0x8: {  	[smem:$0x3FA5] =	sst s0  }
0x9: {  	[smem:$0x3FA6] =	sst s1  }
0xa: {  	[smem:$0x3FA7] =	sst s2  }
0xb: {  	[smem:$0x3FA8] =	sst s3  }
0xc: {  	[smem:$0x3FA9] =	sst s4  }
0xd: {  	[smem:$0x3FAA] =	sst s5  }
0xe: {  	[smem:$0x3FAB] =	sst s6  }
0xf: {  	[smem:$0x3FAC] =	sst s7  }
0x10: {  	[smem:$0x3FAD] =	sst s8  }
0x11: {  	[smem:$0x3FAE] =	sst s9;
	s0 =	simm.s32 @!p0 $0x0  }
0x12: {  	s1 =	sld [smem:$0x3F94];
	s0 =	simm.s32 @p0 $0x1  }
0x13: {  	[smem:$0x3FAF] =	sst s0;
	s0 =	simm.s32 @!p1 $0x0  }
0x14: {  	s2 =	sld [smem:$0x3F93];
	s0 =	simm.s32 @p1 $0x1  }
0x15: {  	[smem:$0x3FB0] =	sst s0;
	s0 =	simm.s32 @!p2 $0x0  }
0x16: {  	s3 =	sld [smem:$0x3FDB];
	s0 =	simm.s32 @p2 $0x1  }
0x17: {  	s4 =	simm.s32 $0x1BF5;
	[smem:$0x3FB2] =	sst s0  }
0x18: {  	s0 =	sld [smem:$0x3F95];
	_ =	swait.ge [sflag:s4], $0x0  }
0x19: {  	s7 =	sld [smem:$0x3F96]  }
0x1a: {  	s8 =	sadd.s32 $0xFFFFE003, lr  }
0x1b: {  	s9 =	sadd.s32 $0xFFFFFEF7, lr;
	s5 =	simm.s32 $0xFFFFFFFF;
	p2 =	slt.u32 s8, $0xFFFFF086  }
0x1c: {  	p1 =	slt.u32 s9, $0xF7A;
	s5 =	simm.s32 @!p2 $0x0  }
0x1d: {  	s5 =	simm.s32 @p1 $0x1;
	p0 =	seq.s32 s7, s2  }
0x1e: {  	s7 =	smul.u32 @!p0 $0xF7A, s2;
	p2 =	seq.s32 @!p0 s5, $0x0  }
0x1f: {  	s9 =	smul.u32 $0xF7A, s1;
	s8 =	simm.s32 @!p0 $0x1BF5;
	p2 =	por !p2, p0  }
0x20: {  	[sflag:s8] =	ssyncset.s32 @!p0 $0xFFFFF086;
	s6 =	sadd.s32 @!p0 s3, s7;
	s7 =	simm.s32 @!p0 $0x108  }
0x21: {  	s3 =	sadd.s32 s3, s9;
	s6 =	sadd.s32 @!p0 $0x88, s6;
	s7 =	simm.s32 @p2 $0x1082  }
0x22: {  	[simem:s7], [sflag:s8] =	dma.local @!p0 [hbm:s6], $0xF7A  }
0x23: {  	s9 =	sor.u32 $0xD0000000, s2;
	s6 =	simm.s32 $0x108;
	_ =	swait.ge @!p0 [sflag:s8], $0x0  }
0x24: {  	s3 =	sadd.s32 $0x88, s3;
	s6 =	simm.s32 @!p1 $0x1082;
	[sflag:s4] =	ssyncset.s32 $0xFFFFF086  }
0x25: {  	[simem:s6], [sflag:s4] =	dma.local [hbm:s3], $0xF7A  }
0x26: {  	[smem:$0x3F96] =	sst s1;
	(tag) =	ssettag s2;
	_ =	strace s9  }
0x27: {  	s1 =	sld [smem:$0x3FA6]  }
0x28: {  	s2 =	sld [smem:$0x3FA7]  }
0x29: {  	s4 =	sld [smem:$0x3FA9]  }
0x2a: {  	p0 =	seq.s32 s5, $0x0;
	s5 =	sld [smem:$0x3FAA]  }
0x2b: {  	s6 =	sld [smem:$0x3FAB]  }
0x2c: {  	s7 =	sld [smem:$0x3FAC]  }
0x2d: {  	s3 =	simm.s32 $0x108;
	s8 =	sld [smem:$0x3FAD]  }
0x2e: {  	s3 =	simm.s32 @!p0 $0x1082;
	s9 =	sld [smem:$0x3FAE]  }
0x2f: {  	lr =	sadd.s32 s0, s3;
	s0 =	sld [smem:$0x3FA5]  }
0x30: {  	s3 =	sld [smem:$0x3FA8]  }
0x31: {  	[smem:$0x3FB1] =	sst s10  }
0x32: {  	s10 =	sld [smem:$0x3FAF];
	_ =	sdelay $0x3  }
0x33: {  	p0 =	seq.s32 s10, $0x1;
	s10 =	sld [smem:$0x3FB1];
	_ =	sdelay $0x3  }
0x34: {  	[smem:$0x3FB1] =	sst s10  }
0x35: {  	s10 =	sld [smem:$0x3FB0];
	_ =	sdelay $0x3  }
0x36: {  	p1 =	seq.s32 s10, $0x1;
	s10 =	sld [smem:$0x3FB1];
	_ =	sdelay $0x3  }
0x37: {  	[smem:$0x3FB1] =	sst s10  }
0x38: {  	s10 =	sld [smem:$0x3FB2]  }
0x39: {  	_ = 	snop;
	(pc) =	sbr.ind lr, $3  }
0x3a: {  	_ = 	snop  }
0x3b: {  	_ = 	snop  }
0x3c: {  	p2 =	seq.s32 s10, $0x1;
	s10 =	sld [smem:$0x3FB1]  }
0x3d: {  	_ =	shalt  }
0x3e: {  	_ =	shalt  }
0x3f: {  	_ =	shalt  }
0x40: {  	_ =	shalt  }
0x41: {  	_ =	shalt  }
0x42: {  	_ =	shalt  }
0x43: {  	_ =	shalt  }
0x44: {  	_ =	shalt  }
0x45: {  	_ =	shalt  }
0x46: {  	_ =	shalt  }
0x47: {  	_ =	shalt  }
0x48: {  	_ =	shalt  }
0x49: {  	_ =	shalt  }
0x4a: {  	_ =	shalt  }
0x4b: {  	_ =	shalt  }
0x4c: {  	_ =	shalt  }
0x4d: {  	_ =	shalt  }
0x4e: {  	_ =	shalt  }
0x4f: {  	_ =	shalt  }
0x50: {  	_ =	shalt  }
0x51: {  	_ =	shalt  }
0x52: {  	_ =	shalt  }
0x53: {  	_ =	shalt  }
0x54: {  	_ =	shalt  }
0x55: {  	_ =	shalt  }
0x56: {  	_ =	shalt  }
0x57: {  	_ =	shalt  }
0x58: {  	_ =	shalt  }
0x59: {  	_ =	shalt  }
0x5a: {  	_ =	shalt  }
0x5b: {  	_ =	shalt  }
0x5c: {  	_ =	shalt  }
0x5d: {  	_ =	shalt  }
0x5e: {  	_ =	shalt  }
0x5f: {  	_ =	shalt  }
0x60: {  	_ =	shalt  }
0x61: {  	_ =	shalt  }
0x62: {  	_ =	shalt  }
0x63: {  	_ =	shalt  }
0x64: {  	_ =	shalt  }
0x65: {  	_ =	shalt  }
0x66: {  	_ =	shalt  }
0x67: {  	_ =	shalt  }
0x68: {  	_ =	shalt  }
0x69: {  	_ =	shalt  }
0x6a: {  	_ =	shalt  }
0x6b: {  	_ =	shalt  }
0x6c: {  	_ =	shalt  }
0x6d: {  	_ =	shalt  }
0x6e: {  	_ =	shalt  }
0x6f: {  	_ =	shalt  }
0x70: {  	_ =	shalt  }
0x71: {  	_ =	shalt  }
0x72: {  	_ =	shalt  }
0x73: {  	_ =	shalt  }
0x74: {  	_ =	shalt  }
0x75: {  	_ =	shalt  }
0x76: {  	_ =	shalt  }
0x77: {  	_ =	shalt  }
0x78: {  	_ =	shalt  }
0x79: {  	_ =	shalt  }
0x7a: {  	_ =	shalt  }
0x7b: {  	_ =	shalt  }
0x7c: {  	_ =	shalt  }
0x7d: {  	_ =	shalt  }
0x7e: {  	_ =	shalt  }
0x7f: {  	_ =	shalt  }
0x80: {  	_ =	shalt  }
0x81: {  	_ =	shalt  }
0x82: {  	_ =	shalt  }
0x83: {  	_ =	shalt  }
0x84: {  	_ =	shalt  }
0x85: {  	_ =	shalt  }
0x86: {  	_ =	shalt  }
0x87: {  	_ =	shalt  }
.Lfunc_end0:
.L_simem_size_0:
called_computation.1_lowered:
.L_overlay_start_0:
0x88: {  	s2 =	sld [smem:$0x3FD9]  }
0x89: {  	s3 =	sld [smem:$0x3FFE];
	_ =	sdelay $0x1  }
0x8a: {  	s1 =	srdreg.scid  }
0x8b: {  	s0 =	sand.u32 $0x1, s1  }
0x8c: {  	s17 =	sshll.u32 s0, $0xA;
	s2 =	sadd.s32 s3, s2  }
0x8d: {  	s2 =	sadd.s32 s2, s17  }
0x8e: {  	[smem:$0x3FBD] =	sst s2  }
0x8f: {  	_ = 	snop  }
0x90: {  	s18 =	sld [smem:$0x3FC5];
	(tm) =	ssettm $0x1  }
0x91: {  	s19 =	sld [smem:$0x3FFB];
	_ =	sdelay $0x3  }
0x92: {  	_ =	strace s19  }
0x93: {  	s2 =	sld [smem:$0x3FFC];
	_ =	sdelay $0x3  }
0x94: {  	_ =	strace s2  }
0x95: {  	s2 =	sld [smem:$0x3FFD];
	_ =	sdelay $0x3  }
0x96: {  	_ =	strace s2  }
0x97: {  	_ =	strace $0x8FFFFFFF  }
0x98: {  	s20 =	sld [smem:$0x3FDB];
	_ =	sdelay $0x1  }
0x99: {  	s4 =	simm.s32 $_scs_section_size  }
0x9a: {  	s5 =	simm.s32 $_size__tile_overlayer_lowered;
	s6 =	simm.s32 $_tile_overlayer_lowered  }
0x9b: {  	s7 =	simm.s32 $0x1BFF;
	s21 =	sshll.u32 s6, $0x1;
	s4 =	sadd.s32 s4, s20  }
0x9c: {  	s22 =	simm.s32 $0x0;
	s5 =	sshll.u32 s5, $0x1;
	s6 =	sadd.s32 s21, s4  }
0x9d: {  	[timem:s22], [sflag:s7] =	dma.local [hbm:s6], s5  }
0x9e: {  	_ =	swait.ge [sflag:s7], s5  }
0x9f: {  	s5 =	ssub.s32 $0x0, s5;
	[sflag:s7] =	ssyncset.done $0x0  }
0xa0: {  	[sflag:s7] =	ssyncadd.s32 s5;
	_ =	sdelay $0x1  }
0xa1: {  	s23 =	simm.s32 $0x1B8B  }
0xa2: {  	_ =	swait.ge [sflag:s23], $0x1  }
0xa3: {  	[sflag:s23] =	ssyncset.done $0x0  }
0xa4: {  	[sflag:s23] =	ssyncadd.s32 $0xFFFFFFFF  }
0xa5: {  	s5 =	sld [smem:$0x0]  }
0xa6: {  	s6 =	sand.u32 $0xFFFFFFFE, s1  }
0xa7: {  	p0 =	sne.s32 s1, s6  }
0xa8: {  	s6 =	sshll.u32 @p0 s6, $0xE  }
0xa9: {  	s6 =	sadd.s32 @p0 $0x11B8D, s6;
	s7 =	sshll.u32 @p0 s5, $0x11  }
0xaa: {  	s6 =	sor.u32 @p0 s7, s6  }
0xab: {  	[sflag:s6] =	ssyncadd.remote.s32 @p0 $0x1;
	_ =	sdelay $0x1  }
0xac: {  	s6 =	simm.s32 @p0 $0x1B8D  }
0xad: {  	_ =	swait.eq @p0 [sflag:s6], $0x1  }
0xae: {  	[sflag:s6] =	ssyncadd.s32 @p0 $0xFFFFFFFF  }
0xaf: {  	s7 =	sshll.u32 @!p0 s1, $0xE  }
0xb0: {  	s7 =	sor.u32 @!p0 $0x4000, s7;
	s6 =	simm.s32 @!p0 $0x1B8D  }
0xb1: {  	s5 =	sshll.u32 @!p0 s5, $0x11;
	s7 =	sadd.s32 @!p0 $0x11B8D, s7;
	_ =	swait.eq @!p0 [sflag:s6], $0x1  }
0xb2: {  	s5 =	sor.u32 @!p0 s5, s7;
	[sflag:s6] =	ssyncadd.s32 @!p0 $0xFFFFFFFF  }
0xb3: {  	s25 =	simm.s32 $0x1B8E;
	s24 =	sld [smem:$0x3FFE];
	[sflag:s5] =	ssyncadd.remote.s32 @!p0 $0x1  }
0xb4: {  	s26 =	simm.s32 $execute0_lowered;
	[smem:$0x3FD2] =	sst s25  }
0xb5: {  	s6 =	sshll.u32 s26, $0x1;
	_ =	strace $0x80000049;
	[dreg:$0x1] =	wrdreg $0xFFFFFFFF  }
0xb6: {  	s28 =	simm.s32 $_size_execute0_lowered;
	s4 =	sadd.s32 s4, s6;
	[dreg:$0x0] =	wrdreg $0x0  }
0xb7: {  	s6 =	sshll.u32 s28, $0x1;
	[dreg:$0x2] =	wrdreg s4  }
0xb8: {  	[dreg:$0x3] =	wrdreg s6  }
0xb9: {  	[dreg:$0x4] =	wrdreg $0xC0  }
0xba: {  	_ =	task [dreg:s22], $0x5FFFF  }
0xbb: {  	[dreg:$0x1] =	wrdreg $0xFFFFFFFF  }
0xbc: {  	[dreg:$0x0] =	wrdreg $0x60  }
0xbd: {  	[dreg:$0x2] =	wrdreg s24  }
0xbe: {  	[dreg:$0x3] =	wrdreg s18  }
0xbf: {  	[dreg:$0x4] =	wrdreg $0xA  }
0xc0: {  	_ =	task.clear_ibuf [dreg:s22], $0x5FFFF;
	_ =	strace $0x90000049  }
0xc1: {  	s29 =	simm.s32 $0xA;
	_ =	strace $0x8000004B  }
0xc2: {  	_ =	swait.ge [sflag:s29], $0x1  }
0xc3: {  	[sflag:s29] =	ssyncadd.s32 $0xFFFFFFFF  }
0xc4: {  	_ =	strace $0x9000004B  }
0xc5: {  	_ =	sfence  }
0xc6: {  	s30 =	sld [smem:$0x0];
	_ =	sdelay $0x2  }
0xc7: {  	s31 =	sshll.u32 s1, $0xD;
	s1 =	sshrl.u32 s1, $0x2  }
0xc8: {  	s4 =	sand.u32 $0x4000, s31;
	s1 =	sadd.s32 s1, s30  }
0xc9: {  	s0 =	sor.u32 s4, s0;
	s1 =	sshll.u32 s1, $0x11  }
0xca: {  	s0 =	sor.u32 s1, s0  }
0xcb: {  	s0 =	sadd.s32 $0x8F2B, s0  }
0xcc: {  	[sflag:s0] =	ssyncadd.remote.s32 $0x1  }
0xcd: {  	_ =	sfence.sel $0xFFFF  }
0xce: {  	[dreg:$0x0] =	wrdreg $0xFFFFFFFF;
	(pc) =	sbr.abs _section_cstart, $3  }
0xcf: {  	[dreg:$0x1] =	wrdreg $0xFFFFFFFF  }
0xd0: {  	_ =	task.clear_ibuf [dreg:s22], $0x2FFFF;
	_ =	strace $0x9FFFFFFF  }
0xd1: {  	(tm) =	ssettm $0x7FFFFFFF  }
tec
execute0_lowered:
.L_overlay_start_1:
0x0: {  	(tag) =	ssettag $0x1  }
0x1: {  	s0 =	rddreg [dreg:$0x0]  }
0x2: {  	s1 =	srdreg.scid;
	s7 =	stileid.u32  }
0x3: {  	s2 =	rddreg [dreg:$0x1];
	s3 =	simm.s32 $0x0;
	s14 =	simm.s32 $0x5  }
0x4: {  	s11 =	simm.s32 $0x2100;
	s12 =	simm.s32 $0x2900;
	s13 =	simm.s32 $0x3100  }
0x5: {  	s16 =	simm.s32 $0x3900;
	s17 =	simm.s32 $0x4100;
	s18 =	simm.s32 $0x4900  }
0x6: {  	s19 =	simm.s32 $0x5100;
	s20 =	simm.s32 $0x5900;
	s28 =	simm.s32 $0x8100  }
0x7: {  	s15 =	simm.s32 $0x8900;
	s29 =	simm.s32 $0xA100;
	s30 =	simm.s32 $0x1  }
0x8: {  	s31 =	simm.s32 $0x3;
	s1 =	sand.u32 $0x1, s1;
	s4 =	sshll.u32 s7, $0x1  }
0x9: {  	[smem:$0x7FF] =	sst s3;
	s7 =	smul.u32 $0xC80, s7;
	s21 =	sadd.s32 $0x4B3800, s0  }
0xa: {  	s0 =	sadd.s32 $0x4B5200, s0;
	s4 =	sor.u32 s1, s4;
	_ =	strace $0x8000004A  }
0xb: {  	s6 =	ssub.s32 $0x2, s1;
	s1 =	smul.u32 $0x640, s1;
	[dreg:$0xc] =	wrdreg s21  }
0xc: {  	s5 =	smul.u32 $0x640, s4;
	s8 =	sshrl.u32 s6, $0x1;
	s4 =	simm.s32 $0xF100  }
0xd: {  	s8 =	ssub.s32 s6, s8;
	s1 =	sadd.s32 s1, s7;
	s6 =	sadd.s32 $0x100, s2  }
0xe: {  	s7 =	sadd.s32 $0x200, s2;
	s5 =	sshrl.u32 s5, $0x3;
	s9 =	sadd.s32 $0x50, s1  }
0xf: {  	s23 =	sshrl.u32 s1, $0x3;
	s24 =	sadd.s32 $0xF0, s1;
	s8 =	smax.u32 s8, $0x1  }
0x10: {  	s26 =	sadd.s32 $0xA0, s1;
	s1 =	simm.s32 $0x2;
	s10 =	sadd.s32 s21, s5  }
0x11: {  	s5 =	smul.u32 $0x300, s5;
	s9 =	sshrl.u32 s9, $0x3;
	[dreg:$0x9] =	wrdreg s8  }
0x12: {  	[dreg:$0xb] =	wrdreg s26;
	s8 =	simm.s32 $0x900;
	s26 =	simm.s32 $0x9100  }
0x13: {  	[dreg:$0x5] =	wrdreg s10;
	s10 =	sadd.s32 $0xA, s10;
	s5 =	sadd.s32 s0, s5  }
0x14: {  	s9 =	smul.u32 $0x300, s9;
	[dreg:$0x6] =	wrdreg s10;
	s22 =	sadd.s32 $0x21C00, s5  }
0x15: {  	s10 =	smul.u32 $0x300, s23;
	s5 =	sadd.s32 $0x23A00, s5;
	[dreg:$0x7] =	wrdreg s22  }
0x16: {  	s23 =	simm.s32 $0x6900;
	s25 =	sadd.s32 s9, s0;
	[dreg:$0x8] =	wrdreg s5  }
0x17: {  	s9 =	simm.s32 $0x1100;
	s5 =	sshrl.u32 s24, $0x3;
	[dreg:$0x3] =	wrdreg s25  }
0x18: {  	s0 =	sadd.s32 s10, s0;
	s22 =	simm.s32 $0x100;
	s10 =	simm.s32 $0x1900  }
0x19: {  	v2 =	vlaneseq.u32;
	s24 =	simm.s32 $0x7100;
	s5 =	sadd.s32 s5, s21;
	[dreg:$0x4] =	wrdreg s0  }
0x1a: {  	vm0 =	vmmov $0xffff;
	v1 =	vshrl.u32 v2, $0x3;
	s25 =	simm.s32 $0x7900;
	[dreg:$0xa] =	wrdreg s5;
	s5 =	simm.s32 $0x0  }
0x1b: {  	v0 =	vand.u32 $0x7, v2;
	v2 =	vor.u32 $0x8, v2;
	v1 =	vmul.u32 $0x8, v1;
	s21 =	simm.s32 $0x6100;
	s0 =	simm.s32 $0x4;
	[dreg:$0xd] =	wrdreg s5  }
.LBB2_1:
0x1c: {  	s5 =	rddreg [dreg:$0x5]  }
0x1d: {  	[tilespmem:s3], [sflag:$0x5] =	stream.linear.gather [hbm4b:s5+s3], $0x50, $0x38;
	[tilespmem:$0x1E100] =	vst v63  }
0x1e: {  	_ =	swait.ge [sflag:s14], $0x50  }
0x1f: {  	[sflag:s14] =	ssyncset.done $0x0  }
0x20: {  	[sflag:s14] =	ssyncadd.s32 $0xFFFFFFB0  }
0x21: {  	v3 =	vld [tilespmem:$0x0];
	_ =	sdelay $0x4  }
0x22: {  	v4 =	vshrl.u32 v3, $0x3  }
0x23: {  	v4 =	vmul.u32 $0x30, v4  }
0x24: {  	v3 =	vand.u32 $0x7, v3  }
0x25: {  	v3 =	vor.u32 v3, v4  }
0x26: {  	v4 =	vperm.xlane v3, v0;
	_ =	sdelay $0x1  }
0x27: {  	v4 =	vadd.s32 v1, v4;
	_ =	sdelay $0x3  }
0x28: {  	v3 =	vperm.xlane v3, v2  }
0x29: {  	[tilespmem:s22], [sflag:$0x1] =	stream.indirect_vreg.gather [hbm4b:s2+s3], $0x80, v4, vm0, $0xb8;
	[tilespmem:$0x1E100] =	vst v63  }
0x2a: {  	v3 =	vadd.s32 v1, v3  }
0x2b: {  	[tilespmem:s8], [sflag:$0x1] =	stream.indirect_vreg.gather [hbm4b:s6+s3], $0x80, v4, vm0, $0xb8;
	[tilespmem:$0x1E100] =	vst v63  }
0x2c: {  	_ = 	snop  }
0x2d: {  	[tilespmem:s9], [sflag:$0x1] =	stream.indirect_vreg.gather [hbm4b:s7+s3], $0x80, v4, vm0, $0xb8;
	[tilespmem:$0x1E100] =	vst v63  }
0x2e: {  	_ = 	snop  }
0x2f: {  	[tilespmem:s10], [sflag:$0x1] =	stream.indirect_vreg.gather [hbm4b:s2+s3], $0x80, v3, vm0, $0xb8;
	[tilespmem:$0x1E100] =	vst v63  }
0x30: {  	_ = 	snop  }
0x31: {  	[tilespmem:s11], [sflag:$0x1] =	stream.indirect_vreg.gather [hbm4b:s6+s3], $0x80, v3, vm0, $0xb8;
	[tilespmem:$0x1E100] =	vst v63  }
0x32: {  	_ = 	snop  }
0x33: {  	[tilespmem:s12], [sflag:$0x1] =	stream.indirect_vreg.gather [hbm4b:s7+s3], $0x80, v3, vm0, $0xb8;
	[tilespmem:$0x1E100] =	vst v63  }
0x34: {  	v3 =	vld [tilespmem:$0x10];
	_ =	sdelay $0x4  }
0x35: {  	v55 =	vshrl.u32 v3, $0x3  }
0x36: {  	v4 =	vmul.u32 $0x30, v55  }
0x37: {  	v3 =	vand.u32 $0x7, v3  }
0x38: {  	v3 =	vor.u32 v3, v4  }
0x39: {  	v4 =	vperm.xlane v3, v0;
	_ =	sdelay $0x1  }
0x3a: {  	v4 =	vadd.s32 v1, v4;
	_ =	sdelay $0x3  }
0x3b: {  	v3 =	vperm.xlane v3, v2  }
0x3c: {  	[tilespmem:s13], [sflag:$0x1] =	stream.indirect_vreg.gather [hbm4b:s2+s3], $0x80, v4, vm0, $0xb8;
	[tilespmem:$0x1E100] =	vst v63  }
0x3d: {  	v3 =	vadd.s32 v1, v3  }
0x3e: {  	[tilespmem:s16], [sflag:$0x1] =	stream.indirect_vreg.gather [hbm4b:s6+s3], $0x80, v4, vm0, $0xb8;
	[tilespmem:$0x1E100] =	vst v63  }
0x3f: {  	_ = 	snop  }
0x40: {  	[tilespmem:s17], [sflag:$0x1] =	stream.indirect_vreg.gather [hbm4b:s7+s3], $0x80, v4, vm0, $0xb8;
	[tilespmem:$0x1E100] =	vst v63  }
0x41: {  	_ = 	snop  }
0x42: {  	[tilespmem:s18], [sflag:$0x1] =	stream.indirect_vreg.gather [hbm4b:s2+s3], $0x80, v3, vm0, $0xb8;
	[tilespmem:$0x1E100] =	vst v63  }
0x43: {  	_ = 	snop  }
0x44: {  	[tilespmem:s19], [sflag:$0x1] =	stream.indirect_vreg.gather [hbm4b:s6+s3], $0x80, v3, vm0, $0xb8;
	[tilespmem:$0x1E100] =	vst v63  }
0x45: {  	_ = 	snop  }
0x46: {  	[tilespmem:s20], [sflag:$0x1] =	stream.indirect_vreg.gather [hbm4b:s7+s3], $0x80, v3, vm0, $0xb8;
	[tilespmem:$0x1E100] =	vst v63  }
0x47: {  	v3 =	vld [tilespmem:$0x20];
	_ =	sdelay $0x4  }
0x48: {  	v56 =	vshrl.u32 v3, $0x3  }
0x49: {  	v4 =	vmul.u32 $0x30, v56  }
0x4a: {  	v3 =	vand.u32 $0x7, v3  }
0x4b: {  	v3 =	vor.u32 v3, v4  }
0x4c: {  	v4 =	vperm.xlane v3, v0;
	_ =	sdelay $0x1  }
0x4d: {  	v4 =	vadd.s32 v1, v4;
	_ =	sdelay $0x3  }
0x4e: {  	v3 =	vperm.xlane v3, v2  }
0x4f: {  	[tilespmem:s21], [sflag:$0x1] =	stream.indirect_vreg.gather [hbm4b:s2+s3], $0x80, v4, vm0, $0xb8;
	[tilespmem:$0x1E100] =	vst v63  }
0x50: {  	v3 =	vadd.s32 v1, v3  }
0x51: {  	[tilespmem:s23], [sflag:$0x1] =	stream.indirect_vreg.gather [hbm4b:s6+s3], $0x80, v4, vm0, $0xb8;
	[tilespmem:$0x1E100] =	vst v63  }
0x52: {  	_ = 	snop  }
0x53: {  	[tilespmem:s24], [sflag:$0x1] =	stream.indirect_vreg.gather [hbm4b:s7+s3], $0x80, v4, vm0, $0xb8;
	[tilespmem:$0x1E100] =	vst v63  }
0x54: {  	_ = 	snop  }
0x55: {  	[tilespmem:s25], [sflag:$0x1] =	stream.indirect_vreg.gather [hbm4b:s2+s3], $0x80, v3, vm0, $0xb8;
	[tilespmem:$0x1E100] =	vst v63  }
0x56: {  	_ = 	snop  }
0x57: {  	[tilespmem:s28], [sflag:$0x1] =	stream.indirect_vreg.gather [hbm4b:s6+s3], $0x80, v3, vm0, $0xb8;
	[tilespmem:$0x1E100] =	vst v63  }
0x58: {  	_ = 	snop  }
0x59: {  	[tilespmem:s15], [sflag:$0x1] =	stream.indirect_vreg.gather [hbm4b:s7+s3], $0x80, v3, vm0, $0xb8;
	[tilespmem:$0x1E100] =	vst v63  }
0x5a: {  	v3 =	vld [tilespmem:$0x30];
	_ =	sdelay $0x4  }
0x5b: {  	v57 =	vshrl.u32 v3, $0x3  }
0x5c: {  	v4 =	vmul.u32 $0x30, v57  }
0x5d: {  	v3 =	vand.u32 $0x7, v3  }
0x5e: {  	v3 =	vor.u32 v3, v4  }
0x5f: {  	v4 =	vperm.xlane v3, v0;
	_ =	sdelay $0x1  }
0x60: {  	v4 =	vadd.s32 v1, v4;
	_ =	sdelay $0x3  }
0x61: {  	v3 =	vperm.xlane v3, v2  }
0x62: {  	[tilespmem:s26], [sflag:$0x1] =	stream.indirect_vreg.gather [hbm4b:s2+s3], $0x80, v4, vm0, $0xb8;
	[tilespmem:$0x1E100] =	vst v63  }
0x63: {  	s8 =	simm.s32 $0x9900;
	v3 =	vadd.s32 v1, v3  }
0x64: {  	[tilespmem:s8], [sflag:$0x1] =	stream.indirect_vreg.gather [hbm4b:s6+s3], $0x80, v4, vm0, $0xb8;
	[tilespmem:$0x1E100] =	vst v63  }
0x65: {  	_ = 	snop  }
0x66: {  	[tilespmem:s29], [sflag:$0x1] =	stream.indirect_vreg.gather [hbm4b:s7+s3], $0x80, v4, vm0, $0xb8;
	[tilespmem:$0x1E100] =	vst v63  }
0x67: {  	s9 =	simm.s32 $0xA900  }
0x68: {  	[tilespmem:s9], [sflag:$0x1] =	stream.indirect_vreg.gather [hbm4b:s2+s3], $0x80, v3, vm0, $0xb8;
	[tilespmem:$0x1E100] =	vst v63  }
0x69: {  	s10 =	simm.s32 $0xB100  }
0x6a: {  	[tilespmem:s10], [sflag:$0x1] =	stream.indirect_vreg.gather [hbm4b:s6+s3], $0x80, v3, vm0, $0xb8;
	[tilespmem:$0x1E100] =	vst v63  }
0x6b: {  	s11 =	simm.s32 $0xB900  }
0x6c: {  	[tilespmem:s11], [sflag:$0x1] =	stream.indirect_vreg.gather [hbm4b:s7+s3], $0x80, v3, vm0, $0xb8;
	[tilespmem:$0x1E100] =	vst v63  }
0x6d: {  	v3 =	vld [tilespmem:$0x40];
	_ =	sdelay $0x4  }
0x6e: {  	v58 =	vshrl.u32 v3, $0x3  }
0x6f: {  	v4 =	vmul.u32 $0x30, v58  }
0x70: {  	v3 =	vand.u32 $0x7, v3  }
0x71: {  	v3 =	vor.u32 v3, v4  }
0x72: {  	v4 =	vperm.xlane v3, v0;
	_ =	sdelay $0x1  }
0x73: {  	v4 =	vadd.s32 v1, v4;
	_ =	sdelay $0x3  }
0x74: {  	s12 =	simm.s32 $0xC100;
	v3 =	vperm.xlane v3, v2  }
0x75: {  	[tilespmem:s12], [sflag:$0x1] =	stream.indirect_vreg.gather [hbm4b:s2+s3], $0x80, v4, vm0, $0xb8;
	[tilespmem:$0x1E100] =	vst v63  }
0x76: {  	s13 =	simm.s32 $0xC900;
	v3 =	vadd.s32 v1, v3  }
0x77: {  	[tilespmem:s13], [sflag:$0x1] =	stream.indirect_vreg.gather [hbm4b:s6+s3], $0x80, v4, vm0, $0xb8;
	[tilespmem:$0x1E100] =	vst v63  }
0x78: {  	s15 =	simm.s32 $0xD100  }
0x79: {  	[tilespmem:s15], [sflag:$0x1] =	stream.indirect_vreg.gather [hbm4b:s7+s3], $0x80, v4, vm0, $0xb8;
	[tilespmem:$0x1E100] =	vst v63  }
0x7a: {  	s16 =	simm.s32 $0xD900  }
0x7b: {  	[tilespmem:s16], [sflag:$0x1] =	stream.indirect_vreg.gather [hbm4b:s2+s3], $0x80, v3, vm0, $0xb8;
	[tilespmem:$0x1E100] =	vst v63  }
0x7c: {  	s17 =	simm.s32 $0xE100  }
0x7d: {  	[tilespmem:s17], [sflag:$0x1] =	stream.indirect_vreg.gather [hbm4b:s6+s3], $0x80, v3, vm0, $0xb8;
	[tilespmem:$0x1E100] =	vst v63  }
0x7e: {  	s18 =	simm.s32 $0xE900  }
0x7f: {  	[tilespmem:s18], [sflag:$0x1] =	stream.indirect_vreg.gather [hbm4b:s7+s3], $0x80, v3, vm0, $0xb8;
	[tilespmem:$0x1E100] =	vst v63  }
0x80: {  	s19 =	rddreg [dreg:$0x6];
	s20 =	simm.s32 $0x80  }
0x81: {  	[tilespmem:s20], [sflag:$0x5] =	stream.linear.gather [hbm4b:s19+s3], $0x50, $0x38;
	[tilespmem:$0x1E100] =	vst v63  }
0x82: {  	_ =	swait.ge [sflag:s14], $0x50  }
0x83: {  	[sflag:s14] =	ssyncset.done $0x0  }
0x84: {  	[sflag:s14] =	ssyncadd.s32 $0xFFFFFFB0  }
0x85: {  	v3 =	vld [tilespmem:$0x80];
	_ =	sdelay $0x4  }
0x86: {  	v59 =	vshrl.u32 v3, $0x3  }
0x87: {  	v4 =	vmul.u32 $0x30, v59  }
0x88: {  	v3 =	vand.u32 $0x7, v3  }
0x89: {  	v3 =	vor.u32 v3, v4  }
0x8a: {  	v4 =	vperm.xlane v3, v0;
	_ =	sdelay $0x1  }
0x8b: {  	v4 =	vadd.s32 v1, v4;
	_ =	sdelay $0x3  }
0x8c: {  	v3 =	vperm.xlane v3, v2  }
0x8d: {  	[tilespmem:s4], [sflag:$0x2] =	stream.indirect_vreg.gather [hbm4b:s2+s3], $0x80, v4, vm0, $0xb8;
	[tilespmem:$0x1E100] =	vst v63  }
0x8e: {  	s21 =	simm.s32 $0xF900;
	v3 =	vadd.s32 v1, v3  }
0x8f: {  	[tilespmem:s21], [sflag:$0x2] =	stream.indirect_vreg.gather [hbm4b:s6+s3], $0x80, v4, vm0, $0xb8;
	[tilespmem:$0x1E100] =	vst v63  }
0x90: {  	s22 =	simm.s32 $0x10100  }
0x91: {  	[tilespmem:s22], [sflag:$0x2] =	stream.indirect_vreg.gather [hbm4b:s7+s3], $0x80, v4, vm0, $0xb8;
	[tilespmem:$0x1E100] =	vst v63  }
0x92: {  	s23 =	simm.s32 $0x10900  }
0x93: {  	[tilespmem:s23], [sflag:$0x2] =	stream.indirect_vreg.gather [hbm4b:s2+s3], $0x80, v3, vm0, $0xb8;
	[tilespmem:$0x1E100] =	vst v63  }
0x94: {  	s24 =	simm.s32 $0x11100  }
0x95: {  	[tilespmem:s24], [sflag:$0x2] =	stream.indirect_vreg.gather [hbm4b:s6+s3], $0x80, v3, vm0, $0xb8;
	[tilespmem:$0x1E100] =	vst v63  }
0x96: {  	s25 =	simm.s32 $0x11900  }
0x97: {  	[tilespmem:s25], [sflag:$0x2] =	stream.indirect_vreg.gather [hbm4b:s7+s3], $0x80, v3, vm0, $0xb8;
	[tilespmem:$0x1E100] =	vst v63  }
0x98: {  	v3 =	vld [tilespmem:$0x90];
	_ =	sdelay $0x4  }
0x99: {  	v60 =	vshrl.u32 v3, $0x3  }
0x9a: {  	v4 =	vmul.u32 $0x30, v60  }
0x9b: {  	v3 =	vand.u32 $0x7, v3  }
0x9c: {  	v3 =	vor.u32 v3, v4  }
0x9d: {  	v4 =	vperm.xlane v3, v0;
	_ =	sdelay $0x1  }
0x9e: {  	v4 =	vadd.s32 v1, v4;
	_ =	sdelay $0x3  }
0x9f: {  	s26 =	simm.s32 $0x12100;
	v3 =	vperm.xlane v3, v2  }
0xa0: {  	[tilespmem:s26], [sflag:$0x2] =	stream.indirect_vreg.gather [hbm4b:s2+s3], $0x80, v4, vm0, $0xb8;
	[tilespmem:$0x1E100] =	vst v63  }
0xa1: {  	s5 =	simm.s32 $0x12900;
	v3 =	vadd.s32 v1, v3  }
0xa2: {  	[tilespmem:s5], [sflag:$0x2] =	stream.indirect_vreg.gather [hbm4b:s6+s3], $0x80, v4, vm0, $0xb8;
	[tilespmem:$0x1E100] =	vst v63  }
0xa3: {  	s8 =	simm.s32 $0x13100  }
0xa4: {  	[tilespmem:s8], [sflag:$0x2] =	stream.indirect_vreg.gather [hbm4b:s7+s3], $0x80, v4, vm0, $0xb8;
	[tilespmem:$0x1E100] =	vst v63  }
0xa5: {  	s9 =	simm.s32 $0x13900  }
0xa6: {  	[tilespmem:s9], [sflag:$0x2] =	stream.indirect_vreg.gather [hbm4b:s2+s3], $0x80, v3, vm0, $0xb8;
	[tilespmem:$0x1E100] =	vst v63  }
0xa7: {  	s10 =	simm.s32 $0x14100  }
0xa8: {  	[tilespmem:s10], [sflag:$0x2] =	stream.indirect_vreg.gather [hbm4b:s6+s3], $0x80, v3, vm0, $0xb8;
	[tilespmem:$0x1E100] =	vst v63  }
0xa9: {  	s11 =	simm.s32 $0x14900  }
0xaa: {  	[tilespmem:s11], [sflag:$0x2] =	stream.indirect_vreg.gather [hbm4b:s7+s3], $0x80, v3, vm0, $0xb8;
	[tilespmem:$0x1E100] =	vst v63  }
0xab: {  	v3 =	vld [tilespmem:$0xA0];
	_ =	sdelay $0x4  }
0xac: {  	v61 =	vshrl.u32 v3, $0x3  }
0xad: {  	v4 =	vmul.u32 $0x30, v61  }
0xae: {  	v3 =	vand.u32 $0x7, v3  }
0xaf: {  	v3 =	vor.u32 v3, v4  }
0xb0: {  	v4 =	vperm.xlane v3, v0;
	_ =	sdelay $0x1  }
0xb1: {  	v4 =	vadd.s32 v1, v4;
	_ =	sdelay $0x3  }
0xb2: {  	s12 =	simm.s32 $0x15100;
	v3 =	vperm.xlane v3, v2  }
0xb3: {  	[tilespmem:s12], [sflag:$0x2] =	stream.indirect_vreg.gather [hbm4b:s2+s3], $0x80, v4, vm0, $0xb8;
	[tilespmem:$0x1E100] =	vst v63  }
0xb4: {  	s13 =	simm.s32 $0x15900;
	v3 =	vadd.s32 v1, v3  }
0xb5: {  	[tilespmem:s13], [sflag:$0x2] =	stream.indirect_vreg.gather [hbm4b:s6+s3], $0x80, v4, vm0, $0xb8;
	[tilespmem:$0x1E100] =	vst v63  }
0xb6: {  	s15 =	simm.s32 $0x16100  }
0xb7: {  	[tilespmem:s15], [sflag:$0x2] =	stream.indirect_vreg.gather [hbm4b:s7+s3], $0x80, v4, vm0, $0xb8;
	[tilespmem:$0x1E100] =	vst v63  }
0xb8: {  	s16 =	simm.s32 $0x16900  }
0xb9: {  	[tilespmem:s16], [sflag:$0x2] =	stream.indirect_vreg.gather [hbm4b:s2+s3], $0x80, v3, vm0, $0xb8;
	[tilespmem:$0x1E100] =	vst v63  }
0xba: {  	s17 =	simm.s32 $0x17100  }
0xbb: {  	[tilespmem:s17], [sflag:$0x2] =	stream.indirect_vreg.gather [hbm4b:s6+s3], $0x80, v3, vm0, $0xb8;
	[tilespmem:$0x1E100] =	vst v63  }
0xbc: {  	s18 =	simm.s32 $0x17900  }
0xbd: {  	[tilespmem:s18], [sflag:$0x2] =	stream.indirect_vreg.gather [hbm4b:s7+s3], $0x80, v3, vm0, $0xb8;
	[tilespmem:$0x1E100] =	vst v63  }
0xbe: {  	v3 =	vld [tilespmem:$0xB0];
	_ =	sdelay $0x4  }
0xbf: {  	v62 =	vshrl.u32 v3, $0x3  }
0xc0: {  	v4 =	vmul.u32 $0x30, v62  }
0xc1: {  	v3 =	vand.u32 $0x7, v3  }
0xc2: {  	v3 =	vor.u32 v3, v4  }
0xc3: {  	v4 =	vperm.xlane v3, v0;
	_ =	sdelay $0x1  }
0xc4: {  	v4 =	vadd.s32 v1, v4;
	_ =	sdelay $0x3  }
0xc5: {  	s19 =	simm.s32 $0x18100;
	v3 =	vperm.xlane v3, v2  }
0xc6: {  	[tilespmem:s19], [sflag:$0x2] =	stream.indirect_vreg.gather [hbm4b:s2+s3], $0x80, v4, vm0, $0xb8;
	[tilespmem:$0x1E100] =	vst v63  }
0xc7: {  	s20 =	simm.s32 $0x18900;
	v3 =	vadd.s32 v1, v3  }
0xc8: {  	[tilespmem:s20], [sflag:$0x2] =	stream.indirect_vreg.gather [hbm4b:s6+s3], $0x80, v4, vm0, $0xb8;
	[tilespmem:$0x1E100] =	vst v63  }
0xc9: {  	s21 =	simm.s32 $0x19100  }
0xca: {  	[tilespmem:s21], [sflag:$0x2] =	stream.indirect_vreg.gather [hbm4b:s7+s3], $0x80, v4, vm0, $0xb8;
	[tilespmem:$0x1E100] =	vst v63  }
0xcb: {  	s22 =	simm.s32 $0x19900  }
0xcc: {  	[tilespmem:s22], [sflag:$0x2] =	stream.indirect_vreg.gather [hbm4b:s2+s3], $0x80, v3, vm0, $0xb8;
	[tilespmem:$0x1E100] =	vst v63  }
0xcd: {  	s23 =	simm.s32 $0x1A100  }
0xce: {  	[tilespmem:s23], [sflag:$0x2] =	stream.indirect_vreg.gather [hbm4b:s6+s3], $0x80, v3, vm0, $0xb8;
	[tilespmem:$0x1E100] =	vst v63  }
0xcf: {  	s24 =	simm.s32 $0x1A900  }
0xd0: {  	[tilespmem:s24], [sflag:$0x2] =	stream.indirect_vreg.gather [hbm4b:s7+s3], $0x80, v3, vm0, $0xb8;
	[tilespmem:$0x1E100] =	vst v63  }
0xd1: {  	v3 =	vld [tilespmem:$0xC0];
	_ =	sdelay $0x4  }
0xd2: {  	v63 =	vshrl.u32 v3, $0x3  }
0xd3: {  	v4 =	vmul.u32 $0x30, v63  }
0xd4: {  	v3 =	vand.u32 $0x7, v3  }
0xd5: {  	v3 =	vor.u32 v3, v4  }
0xd6: {  	v4 =	vperm.xlane v3, v0;
	_ =	sdelay $0x1  }
0xd7: {  	v4 =	vadd.s32 v1, v4;
	_ =	sdelay $0x2  }
0xd8: {  	s28 =	simm.s32 $0x7100;
	s29 =	simm.s32 $0x7900  }
0xd9: {  	s25 =	simm.s32 $0x1B100;
	s26 =	simm.s32 $0x1B900;
	s8 =	rddreg [dreg:$0xb];
	v3 =	vperm.xlane v3, v2  }
0xda: {  	[tilespmem:s25], [sflag:$0x2] =	stream.indirect_vreg.gather [hbm4b:s2+s3], $0x80, v4, vm0, $0xb8;
	[tilespmem:$0x1E100] =	vst v63  }
0xdb: {  	s9 =	rddreg [dreg:$0xa];
	s10 =	simm.s32 $0x0;
	s11 =	simm.s32 $0x9900;
	v3 =	vadd.s32 v1, v3  }
0xdc: {  	[tilespmem:s26], [sflag:$0x2] =	stream.indirect_vreg.gather [hbm4b:s6+s3], $0x80, v4, vm0, $0xb8;
	[tilespmem:$0x1E100] =	vst v63  }
0xdd: {  	s12 =	simm.s32 $0x1C900;
	s13 =	simm.s32 $0x1900;
	s17 =	simm.s32 $0x1C100  }
0xde: {  	[tilespmem:s17], [sflag:$0x2] =	stream.indirect_vreg.gather [hbm4b:s7+s3], $0x80, v4, vm0, $0xb8;
	[tilespmem:$0x1E100] =	vst v63  }
0xdf: {  	s15 =	rddreg [dreg:$0xc];
	s16 =	simm.s32 $0x8900;
	s18 =	simm.s32 $0x1D900  }
0xe0: {  	[tilespmem:s12], [sflag:$0x2] =	stream.indirect_vreg.gather [hbm4b:s2+s3], $0x80, v3, vm0, $0xb8;
	[tilespmem:$0x1E100] =	vst v63  }
0xe1: {  	s19 =	simm.s32 $0xA100;
	s20 =	simm.s32 $0x4100;
	s23 =	simm.s32 $0x1D100  }
0xe2: {  	[tilespmem:s23], [sflag:$0x2] =	stream.indirect_vreg.gather [hbm4b:s6+s3], $0x80, v3, vm0, $0xb8;
	[tilespmem:$0x1E100] =	vst v63  }
0xe3: {  	s21 =	simm.s32 $0x4900;
	s24 =	simm.s32 $0x5900;
	s25 =	simm.s32 $0x6100  }
0xe4: {  	[tilespmem:s18], [sflag:$0x2] =	stream.indirect_vreg.gather [hbm4b:s7+s3], $0x80, v3, vm0, $0xb8;
	[tilespmem:$0x1E100] =	vst v63  }
.LBB2_2:
0xe5: {  	_ =	swait.ge [sflag:s30], $0xF000  }
0xe6: {  	s4 =	simm.s32 $0x100;
	s5 =	rddreg [dreg:$0x4];
	[sflag:s30] =	ssyncset.done $0x0  }
0xe7: {  	s22 =	sshrl.u32 s8, $0x3;
	[sflag:s30] =	ssyncadd.s32 $0xFFFF1000;
	s5 =	sadd.s32 s10, s5  }
0xe8: {  	[hbm4b:s5+s3] =	stream.linear.scatter [tilespmem:s4], [sflag:$0x3], $0xF000, $0x38;
	[tilespmem:$0x1E100] =	vst v63  }
0xe9: {  	s5 =	sadd.s32 s15, s22  }
0xea: {  	[tilespmem:s3], [sflag:$0x5] =	stream.linear.gather [hbm4b:s5+s3], $0x50, $0x38;
	[tilespmem:$0x1E100] =	vst v63  }
0xeb: {  	_ =	swait.ge [sflag:s14], $0x50  }
0xec: {  	[sflag:s14] =	ssyncset.done $0x0  }
0xed: {  	[sflag:s14] =	ssyncadd.s32 $0xFFFFFFB0  }
0xee: {  	_ =	swait.ge [sflag:s31], $0xF000  }
0xef: {  	[sflag:s31] =	ssyncset.done $0x0  }
0xf0: {  	[sflag:s31] =	ssyncadd.s32 $0xFFFF1000  }
0xf1: {  	v3 =	vld [tilespmem:$0x0];
	_ =	sdelay $0x4  }
0xf2: {  	v4 =	vshrl.u32 v3, $0x3  }
0xf3: {  	v4 =	vmul.u32 $0x30, v4  }
0xf4: {  	v3 =	vand.u32 $0x7, v3  }
0xf5: {  	v3 =	vor.u32 v3, v4  }
0xf6: {  	v4 =	vperm.xlane v3, v0;
	_ =	sdelay $0x1  }
0xf7: {  	v4 =	vadd.s32 v1, v4;
	_ =	sdelay $0x3  }
0xf8: {  	v3 =	vperm.xlane v3, v2  }
0xf9: {  	[tilespmem:s4], [sflag:$0x1] =	stream.indirect_vreg.gather [hbm4b:s2+s3], $0x80, v4, vm0, $0xb8;
	[tilespmem:$0x1E100] =	vst v63  }
0xfa: {  	s26 =	simm.s32 $0x900;
	v3 =	vadd.s32 v1, v3  }
0xfb: {  	[tilespmem:s26], [sflag:$0x1] =	stream.indirect_vreg.gather [hbm4b:s6+s3], $0x80, v4, vm0, $0xb8;
	[tilespmem:$0x1E100] =	vst v63  }
0xfc: {  	s5 =	simm.s32 $0x1100  }
0xfd: {  	[tilespmem:s5], [sflag:$0x1] =	stream.indirect_vreg.gather [hbm4b:s7+s3], $0x80, v4, vm0, $0xb8;
	[tilespmem:$0x1E100] =	vst v63  }
0xfe: {  	_ = 	snop  }
0xff: {  	[tilespmem:s13], [sflag:$0x1] =	stream.indirect_vreg.gather [hbm4b:s2+s3], $0x80, v3, vm0, $0xb8;
	[tilespmem:$0x1E100] =	vst v63  }
0x100: {  	s26 =	simm.s32 $0x2100  }
0x101: {  	[tilespmem:s26], [sflag:$0x1] =	stream.indirect_vreg.gather [hbm4b:s6+s3], $0x80, v3, vm0, $0xb8;
	[tilespmem:$0x1E100] =	vst v63  }
0x102: {  	s5 =	simm.s32 $0x2900  }
0x103: {  	[tilespmem:s5], [sflag:$0x1] =	stream.indirect_vreg.gather [hbm4b:s7+s3], $0x80, v3, vm0, $0xb8;
	[tilespmem:$0x1E100] =	vst v63  }
0x104: {  	v3 =	vld [tilespmem:$0x10];
	_ =	sdelay $0x4  }
0x105: {  	v55 =	vshrl.u32 v3, $0x3  }
0x106: {  	v4 =	vmul.u32 $0x30, v55  }
0x107: {  	v3 =	vand.u32 $0x7, v3  }
0x108: {  	v3 =	vor.u32 v3, v4  }
0x109: {  	v4 =	vperm.xlane v3, v0;
	_ =	sdelay $0x1  }
0x10a: {  	v4 =	vadd.s32 v1, v4;
	_ =	sdelay $0x3  }
0x10b: {  	s26 =	simm.s32 $0x3100;
	v3 =	vperm.xlane v3, v2  }
0x10c: {  	[tilespmem:s26], [sflag:$0x1] =	stream.indirect_vreg.gather [hbm4b:s2+s3], $0x80, v4, vm0, $0xb8;
	[tilespmem:$0x1E100] =	vst v63  }
0x10d: {  	s5 =	simm.s32 $0x3900;
	v3 =	vadd.s32 v1, v3  }
0x10e: {  	[tilespmem:s5], [sflag:$0x1] =	stream.indirect_vreg.gather [hbm4b:s6+s3], $0x80, v4, vm0, $0xb8;
	[tilespmem:$0x1E100] =	vst v63  }
0x10f: {  	_ = 	snop  }
0x110: {  	[tilespmem:s20], [sflag:$0x1] =	stream.indirect_vreg.gather [hbm4b:s7+s3], $0x80, v4, vm0, $0xb8;
	[tilespmem:$0x1E100] =	vst v63  }
0x111: {  	_ = 	snop  }
0x112: {  	[tilespmem:s21], [sflag:$0x1] =	stream.indirect_vreg.gather [hbm4b:s2+s3], $0x80, v3, vm0, $0xb8;
	[tilespmem:$0x1E100] =	vst v63  }
0x113: {  	s26 =	simm.s32 $0x5100  }
0x114: {  	[tilespmem:s26], [sflag:$0x1] =	stream.indirect_vreg.gather [hbm4b:s6+s3], $0x80, v3, vm0, $0xb8;
	[tilespmem:$0x1E100] =	vst v63  }
0x115: {  	_ = 	snop  }
0x116: {  	[tilespmem:s24], [sflag:$0x1] =	stream.indirect_vreg.gather [hbm4b:s7+s3], $0x80, v3, vm0, $0xb8;
	[tilespmem:$0x1E100] =	vst v63  }
0x117: {  	v3 =	vld [tilespmem:$0x20];
	_ =	sdelay $0x4  }
0x118: {  	v56 =	vshrl.u32 v3, $0x3  }
0x119: {  	v4 =	vmul.u32 $0x30, v56  }
0x11a: {  	v3 =	vand.u32 $0x7, v3  }
0x11b: {  	v3 =	vor.u32 v3, v4  }
0x11c: {  	v4 =	vperm.xlane v3, v0;
	_ =	sdelay $0x1  }
0x11d: {  	v4 =	vadd.s32 v1, v4;
	_ =	sdelay $0x3  }
0x11e: {  	v3 =	vperm.xlane v3, v2  }
0x11f: {  	[tilespmem:s25], [sflag:$0x1] =	stream.indirect_vreg.gather [hbm4b:s2+s3], $0x80, v4, vm0, $0xb8;
	[tilespmem:$0x1E100] =	vst v63  }
0x120: {  	s5 =	simm.s32 $0x6900;
	v3 =	vadd.s32 v1, v3  }
0x121: {  	[tilespmem:s5], [sflag:$0x1] =	stream.indirect_vreg.gather [hbm4b:s6+s3], $0x80, v4, vm0, $0xb8;
	[tilespmem:$0x1E100] =	vst v63  }
0x122: {  	_ = 	snop  }
0x123: {  	[tilespmem:s28], [sflag:$0x1] =	stream.indirect_vreg.gather [hbm4b:s7+s3], $0x80, v4, vm0, $0xb8;
	[tilespmem:$0x1E100] =	vst v63  }
0x124: {  	_ = 	snop  }
0x125: {  	[tilespmem:s29], [sflag:$0x1] =	stream.indirect_vreg.gather [hbm4b:s2+s3], $0x80, v3, vm0, $0xb8;
	[tilespmem:$0x1E100] =	vst v63  }
0x126: {  	s26 =	simm.s32 $0x8100  }
0x127: {  	[tilespmem:s26], [sflag:$0x1] =	stream.indirect_vreg.gather [hbm4b:s6+s3], $0x80, v3, vm0, $0xb8;
	[tilespmem:$0x1E100] =	vst v63  }
0x128: {  	_ = 	snop  }
0x129: {  	[tilespmem:s16], [sflag:$0x1] =	stream.indirect_vreg.gather [hbm4b:s7+s3], $0x80, v3, vm0, $0xb8;
	[tilespmem:$0x1E100] =	vst v63  }
0x12a: {  	v3 =	vld [tilespmem:$0x30];
	_ =	sdelay $0x4  }
0x12b: {  	v57 =	vshrl.u32 v3, $0x3  }
0x12c: {  	v4 =	vmul.u32 $0x30, v57  }
0x12d: {  	v3 =	vand.u32 $0x7, v3  }
0x12e: {  	v3 =	vor.u32 v3, v4  }
0x12f: {  	v4 =	vperm.xlane v3, v0;
	_ =	sdelay $0x1  }
0x130: {  	v4 =	vadd.s32 v1, v4;
	_ =	sdelay $0x3  }
0x131: {  	s5 =	simm.s32 $0x9100;
	v3 =	vperm.xlane v3, v2  }
0x132: {  	[tilespmem:s5], [sflag:$0x1] =	stream.indirect_vreg.gather [hbm4b:s2+s3], $0x80, v4, vm0, $0xb8;
	[tilespmem:$0x1E100] =	vst v63  }
0x133: {  	v3 =	vadd.s32 v1, v3  }
0x134: {  	[tilespmem:s11], [sflag:$0x1] =	stream.indirect_vreg.gather [hbm4b:s6+s3], $0x80, v4, vm0, $0xb8;
	[tilespmem:$0x1E100] =	vst v63  }
0x135: {  	_ = 	snop  }
0x136: {  	[tilespmem:s19], [sflag:$0x1] =	stream.indirect_vreg.gather [hbm4b:s7+s3], $0x80, v4, vm0, $0xb8;
	[tilespmem:$0x1E100] =	vst v63  }
0x137: {  	s26 =	simm.s32 $0xA900  }
0x138: {  	[tilespmem:s26], [sflag:$0x1] =	stream.indirect_vreg.gather [hbm4b:s2+s3], $0x80, v3, vm0, $0xb8;
	[tilespmem:$0x1E100] =	vst v63  }
0x139: {  	s5 =	simm.s32 $0xB100  }
0x13a: {  	[tilespmem:s5], [sflag:$0x1] =	stream.indirect_vreg.gather [hbm4b:s6+s3], $0x80, v3, vm0, $0xb8;
	[tilespmem:$0x1E100] =	vst v63  }
0x13b: {  	s26 =	simm.s32 $0xB900  }
0x13c: {  	[tilespmem:s26], [sflag:$0x1] =	stream.indirect_vreg.gather [hbm4b:s7+s3], $0x80, v3, vm0, $0xb8;
	[tilespmem:$0x1E100] =	vst v63  }
0x13d: {  	v3 =	vld [tilespmem:$0x40];
	_ =	sdelay $0x4  }
0x13e: {  	v58 =	vshrl.u32 v3, $0x3  }
0x13f: {  	v4 =	vmul.u32 $0x30, v58  }
0x140: {  	v3 =	vand.u32 $0x7, v3  }
0x141: {  	v3 =	vor.u32 v3, v4  }
0x142: {  	v4 =	vperm.xlane v3, v0;
	_ =	sdelay $0x1  }
0x143: {  	v4 =	vadd.s32 v1, v4;
	_ =	sdelay $0x3  }
0x144: {  	s5 =	simm.s32 $0xC100;
	v3 =	vperm.xlane v3, v2  }
0x145: {  	[tilespmem:s5], [sflag:$0x1] =	stream.indirect_vreg.gather [hbm4b:s2+s3], $0x80, v4, vm0, $0xb8;
	[tilespmem:$0x1E100] =	vst v63  }
0x146: {  	s26 =	simm.s32 $0xC900;
	v3 =	vadd.s32 v1, v3  }
0x147: {  	[tilespmem:s26], [sflag:$0x1] =	stream.indirect_vreg.gather [hbm4b:s6+s3], $0x80, v4, vm0, $0xb8;
	[tilespmem:$0x1E100] =	vst v63  }
0x148: {  	s5 =	simm.s32 $0xD100  }
0x149: {  	[tilespmem:s5], [sflag:$0x1] =	stream.indirect_vreg.gather [hbm4b:s7+s3], $0x80, v4, vm0, $0xb8;
	[tilespmem:$0x1E100] =	vst v63  }
0x14a: {  	s26 =	simm.s32 $0xD900  }
0x14b: {  	[tilespmem:s26], [sflag:$0x1] =	stream.indirect_vreg.gather [hbm4b:s2+s3], $0x80, v3, vm0, $0xb8;
	[tilespmem:$0x1E100] =	vst v63  }
0x14c: {  	s5 =	simm.s32 $0xE100  }
0x14d: {  	[tilespmem:s5], [sflag:$0x1] =	stream.indirect_vreg.gather [hbm4b:s6+s3], $0x80, v3, vm0, $0xb8;
	[tilespmem:$0x1E100] =	vst v63  }
0x14e: {  	s26 =	simm.s32 $0xE900  }
0x14f: {  	[tilespmem:s26], [sflag:$0x1] =	stream.indirect_vreg.gather [hbm4b:s7+s3], $0x80, v3, vm0, $0xb8;
	[tilespmem:$0x1E100] =	vst v63  }
0x150: {  	_ =	swait.ge [sflag:s1], $0xF000  }
0x151: {  	s4 =	rddreg [dreg:$0x3];
	[sflag:s1] =	ssyncset.done $0x0  }
0x152: {  	s26 =	simm.s32 $0xF100;
	[sflag:s1] =	ssyncadd.s32 $0xFFFF1000;
	s5 =	sadd.s32 s10, s4  }
0x153: {  	[hbm4b:s5+s3] =	stream.linear.scatter [tilespmem:s26], [sflag:$0x4], $0xF000, $0x38;
	[tilespmem:$0x1E100] =	vst v63  }
0x154: {  	s5 =	simm.s32 $0x80  }
0x155: {  	[tilespmem:s5], [sflag:$0x5] =	stream.linear.gather [hbm4b:s9+s3], $0x50, $0x38;
	[tilespmem:$0x1E100] =	vst v63  }
0x156: {  	_ =	swait.ge [sflag:s14], $0x50  }
0x157: {  	[sflag:s14] =	ssyncset.done $0x0  }
0x158: {  	[sflag:s14] =	ssyncadd.s32 $0xFFFFFFB0  }
0x159: {  	_ =	swait.ge [sflag:s0], $0xF000  }
0x15a: {  	[sflag:s0] =	ssyncset.done $0x0  }
0x15b: {  	[sflag:s0] =	ssyncadd.s32 $0xFFFF1000  }
0x15c: {  	v3 =	vld [tilespmem:$0x80];
	_ =	sdelay $0x4  }
0x15d: {  	v59 =	vshrl.u32 v3, $0x3  }
0x15e: {  	v4 =	vmul.u32 $0x30, v59  }
0x15f: {  	v3 =	vand.u32 $0x7, v3  }
0x160: {  	v3 =	vor.u32 v3, v4  }
0x161: {  	v4 =	vperm.xlane v3, v0;
	_ =	sdelay $0x1  }
0x162: {  	v4 =	vadd.s32 v1, v4;
	_ =	sdelay $0x3  }
0x163: {  	v3 =	vperm.xlane v3, v2  }
0x164: {  	[tilespmem:s26], [sflag:$0x2] =	stream.indirect_vreg.gather [hbm4b:s2+s3], $0x80, v4, vm0, $0xb8;
	[tilespmem:$0x1E100] =	vst v63  }
0x165: {  	v3 =	vadd.s32 v1, v3;
	s26 =	simm.s32 $0xF900  }
0x166: {  	[tilespmem:s26], [sflag:$0x2] =	stream.indirect_vreg.gather [hbm4b:s6+s3], $0x80, v4, vm0, $0xb8;
	[tilespmem:$0x1E100] =	vst v63  }
0x167: {  	s26 =	simm.s32 $0x10100  }
0x168: {  	[tilespmem:s26], [sflag:$0x2] =	stream.indirect_vreg.gather [hbm4b:s7+s3], $0x80, v4, vm0, $0xb8;
	[tilespmem:$0x1E100] =	vst v63  }
0x169: {  	s26 =	simm.s32 $0x10900  }
0x16a: {  	[tilespmem:s26], [sflag:$0x2] =	stream.indirect_vreg.gather [hbm4b:s2+s3], $0x80, v3, vm0, $0xb8;
	[tilespmem:$0x1E100] =	vst v63  }
0x16b: {  	s26 =	simm.s32 $0x11100  }
0x16c: {  	[tilespmem:s26], [sflag:$0x2] =	stream.indirect_vreg.gather [hbm4b:s6+s3], $0x80, v3, vm0, $0xb8;
	[tilespmem:$0x1E100] =	vst v63  }
0x16d: {  	s26 =	simm.s32 $0x11900  }
0x16e: {  	[tilespmem:s26], [sflag:$0x2] =	stream.indirect_vreg.gather [hbm4b:s7+s3], $0x80, v3, vm0, $0xb8;
	[tilespmem:$0x1E100] =	vst v63  }
0x16f: {  	v3 =	vld [tilespmem:$0x90];
	_ =	sdelay $0x4  }
0x170: {  	v60 =	vshrl.u32 v3, $0x3  }
0x171: {  	v4 =	vmul.u32 $0x30, v60  }
0x172: {  	v3 =	vand.u32 $0x7, v3  }
0x173: {  	v3 =	vor.u32 v3, v4  }
0x174: {  	v4 =	vperm.xlane v3, v0;
	_ =	sdelay $0x1  }
0x175: {  	v4 =	vadd.s32 v1, v4;
	_ =	sdelay $0x3  }
0x176: {  	s26 =	simm.s32 $0x12100;
	v3 =	vperm.xlane v3, v2  }
0x177: {  	[tilespmem:s26], [sflag:$0x2] =	stream.indirect_vreg.gather [hbm4b:s2+s3], $0x80, v4, vm0, $0xb8;
	[tilespmem:$0x1E100] =	vst v63  }
0x178: {  	v3 =	vadd.s32 v1, v3;
	s26 =	simm.s32 $0x12900  }
0x179: {  	[tilespmem:s26], [sflag:$0x2] =	stream.indirect_vreg.gather [hbm4b:s6+s3], $0x80, v4, vm0, $0xb8;
	[tilespmem:$0x1E100] =	vst v63  }
0x17a: {  	s26 =	simm.s32 $0x13100  }
0x17b: {  	[tilespmem:s26], [sflag:$0x2] =	stream.indirect_vreg.gather [hbm4b:s7+s3], $0x80, v4, vm0, $0xb8;
	[tilespmem:$0x1E100] =	vst v63  }
0x17c: {  	s26 =	simm.s32 $0x13900  }
0x17d: {  	[tilespmem:s26], [sflag:$0x2] =	stream.indirect_vreg.gather [hbm4b:s2+s3], $0x80, v3, vm0, $0xb8;
	[tilespmem:$0x1E100] =	vst v63  }
0x17e: {  	s26 =	simm.s32 $0x14100  }
0x17f: {  	[tilespmem:s26], [sflag:$0x2] =	stream.indirect_vreg.gather [hbm4b:s6+s3], $0x80, v3, vm0, $0xb8;
	[tilespmem:$0x1E100] =	vst v63  }
0x180: {  	s26 =	simm.s32 $0x14900  }
0x181: {  	[tilespmem:s26], [sflag:$0x2] =	stream.indirect_vreg.gather [hbm4b:s7+s3], $0x80, v3, vm0, $0xb8;
	[tilespmem:$0x1E100] =	vst v63  }
0x182: {  	v3 =	vld [tilespmem:$0xA0];
	_ =	sdelay $0x4  }
0x183: {  	v61 =	vshrl.u32 v3, $0x3  }
0x184: {  	v4 =	vmul.u32 $0x30, v61  }
0x185: {  	v3 =	vand.u32 $0x7, v3  }
0x186: {  	v3 =	vor.u32 v3, v4  }
0x187: {  	v4 =	vperm.xlane v3, v0;
	_ =	sdelay $0x1  }
0x188: {  	v4 =	vadd.s32 v1, v4;
	_ =	sdelay $0x3  }
0x189: {  	s26 =	simm.s32 $0x15100;
	v3 =	vperm.xlane v3, v2  }
0x18a: {  	[tilespmem:s26], [sflag:$0x2] =	stream.indirect_vreg.gather [hbm4b:s2+s3], $0x80, v4, vm0, $0xb8;
	[tilespmem:$0x1E100] =	vst v63  }
0x18b: {  	v3 =	vadd.s32 v1, v3;
	s26 =	simm.s32 $0x15900  }
0x18c: {  	[tilespmem:s26], [sflag:$0x2] =	stream.indirect_vreg.gather [hbm4b:s6+s3], $0x80, v4, vm0, $0xb8;
	[tilespmem:$0x1E100] =	vst v63  }
0x18d: {  	s26 =	simm.s32 $0x16100  }
0x18e: {  	[tilespmem:s26], [sflag:$0x2] =	stream.indirect_vreg.gather [hbm4b:s7+s3], $0x80, v4, vm0, $0xb8;
	[tilespmem:$0x1E100] =	vst v63  }
0x18f: {  	s26 =	simm.s32 $0x16900  }
0x190: {  	[tilespmem:s26], [sflag:$0x2] =	stream.indirect_vreg.gather [hbm4b:s2+s3], $0x80, v3, vm0, $0xb8;
	[tilespmem:$0x1E100] =	vst v63  }
0x191: {  	s26 =	simm.s32 $0x17100  }
0x192: {  	[tilespmem:s26], [sflag:$0x2] =	stream.indirect_vreg.gather [hbm4b:s6+s3], $0x80, v3, vm0, $0xb8;
	[tilespmem:$0x1E100] =	vst v63  }
0x193: {  	s26 =	simm.s32 $0x17900  }
0x194: {  	[tilespmem:s26], [sflag:$0x2] =	stream.indirect_vreg.gather [hbm4b:s7+s3], $0x80, v3, vm0, $0xb8;
	[tilespmem:$0x1E100] =	vst v63  }
0x195: {  	v3 =	vld [tilespmem:$0xB0];
	_ =	sdelay $0x4  }
0x196: {  	v62 =	vshrl.u32 v3, $0x3  }
0x197: {  	v4 =	vmul.u32 $0x30, v62  }
0x198: {  	v3 =	vand.u32 $0x7, v3  }
0x199: {  	v3 =	vor.u32 v3, v4  }
0x19a: {  	v4 =	vperm.xlane v3, v0;
	_ =	sdelay $0x1  }
0x19b: {  	v4 =	vadd.s32 v1, v4;
	_ =	sdelay $0x3  }
0x19c: {  	s26 =	simm.s32 $0x18100;
	v3 =	vperm.xlane v3, v2  }
0x19d: {  	[tilespmem:s26], [sflag:$0x2] =	stream.indirect_vreg.gather [hbm4b:s2+s3], $0x80, v4, vm0, $0xb8;
	[tilespmem:$0x1E100] =	vst v63  }
0x19e: {  	v3 =	vadd.s32 v1, v3;
	s26 =	simm.s32 $0x18900  }
0x19f: {  	[tilespmem:s26], [sflag:$0x2] =	stream.indirect_vreg.gather [hbm4b:s6+s3], $0x80, v4, vm0, $0xb8;
	[tilespmem:$0x1E100] =	vst v63  }
0x1a0: {  	s26 =	simm.s32 $0x19100  }
0x1a1: {  	[tilespmem:s26], [sflag:$0x2] =	stream.indirect_vreg.gather [hbm4b:s7+s3], $0x80, v4, vm0, $0xb8;
	[tilespmem:$0x1E100] =	vst v63  }
0x1a2: {  	s26 =	simm.s32 $0x19900  }
0x1a3: {  	[tilespmem:s26], [sflag:$0x2] =	stream.indirect_vreg.gather [hbm4b:s2+s3], $0x80, v3, vm0, $0xb8;
	[tilespmem:$0x1E100] =	vst v63  }
0x1a4: {  	s26 =	simm.s32 $0x1A100  }
0x1a5: {  	[tilespmem:s26], [sflag:$0x2] =	stream.indirect_vreg.gather [hbm4b:s6+s3], $0x80, v3, vm0, $0xb8;
	[tilespmem:$0x1E100] =	vst v63  }
0x1a6: {  	s26 =	simm.s32 $0x1A900  }
0x1a7: {  	[tilespmem:s26], [sflag:$0x2] =	stream.indirect_vreg.gather [hbm4b:s7+s3], $0x80, v3, vm0, $0xb8;
	[tilespmem:$0x1E100] =	vst v63  }
0x1a8: {  	v3 =	vld [tilespmem:$0xC0];
	_ =	sdelay $0x4  }
0x1a9: {  	v63 =	vshrl.u32 v3, $0x3  }
0x1aa: {  	v4 =	vmul.u32 $0x30, v63  }
0x1ab: {  	v3 =	vand.u32 $0x7, v3  }
0x1ac: {  	v3 =	vor.u32 v3, v4  }
0x1ad: {  	v4 =	vperm.xlane v3, v0;
	_ =	sdelay $0x1  }
0x1ae: {  	v4 =	vadd.s32 v1, v4;
	_ =	sdelay $0x3  }
0x1af: {  	s26 =	simm.s32 $0x1B100;
	v3 =	vperm.xlane v3, v2  }
0x1b0: {  	[tilespmem:s26], [sflag:$0x2] =	stream.indirect_vreg.gather [hbm4b:s2+s3], $0x80, v4, vm0, $0xb8;
	[tilespmem:$0x1E100] =	vst v63  }
0x1b1: {  	v3 =	vadd.s32 v1, v3;
	s26 =	simm.s32 $0x1B900  }
0x1b2: {  	[tilespmem:s26], [sflag:$0x2] =	stream.indirect_vreg.gather [hbm4b:s6+s3], $0x80, v4, vm0, $0xb8;
	[tilespmem:$0x1E100] =	vst v63  }
0x1b3: {  	_ = 	snop  }
0x1b4: {  	[tilespmem:s17], [sflag:$0x2] =	stream.indirect_vreg.gather [hbm4b:s7+s3], $0x80, v4, vm0, $0xb8;
	[tilespmem:$0x1E100] =	vst v63  }
0x1b5: {  	p0 =	sne.s32 s10, $0x1E000  }
0x1b6: {  	[tilespmem:s12], [sflag:$0x2] =	stream.indirect_vreg.gather [hbm4b:s2+s3], $0x80, v3, vm0, $0xb8;
	[tilespmem:$0x1E100] =	vst v63  }
.Ltmp0:
0x1b7: {  	_ = 	snop;
	(pc) =	sbr.rel @p0 .LBB2_2-.Ltmp0, $4  }
0x1b8: {  	s8 =	sadd.s32 $0xA0, s8;
	s22 =	simm.s32 $0x100  }
0x1b9: {  	[tilespmem:s23], [sflag:$0x2] =	stream.indirect_vreg.gather [hbm4b:s6+s3], $0x80, v3, vm0, $0xb8;
	[tilespmem:$0x1E100] =	vst v63  }
0x1ba: {  	s4 =	simm.s32 $0xF100;
	s10 =	sadd.s32 $0x3C00, s10;
	s9 =	sadd.s32 $0x14, s9  }
0x1bb: {  	[tilespmem:s18], [sflag:$0x2] =	stream.indirect_vreg.gather [hbm4b:s7+s3], $0x80, v3, vm0, $0xb8;
	[tilespmem:$0x1E100] =	vst v63  }
0x1bc: {  	_ =	swait.ge [sflag:s30], $0xF000  }
0x1bd: {  	[sflag:s30] =	ssyncset.done $0x0  }
0x1be: {  	s5 =	rddreg [dreg:$0x7];
	[sflag:s30] =	ssyncadd.s32 $0xFFFF1000  }
0x1bf: {  	[hbm4b:s5+s3] =	stream.linear.scatter [tilespmem:s22], [sflag:$0x5], $0xF000, $0x38;
	[tilespmem:$0x1E100] =	vst v63  }
0x1c0: {  	_ =	swait.ge [sflag:s14], $0xF000  }
0x1c1: {  	[sflag:s14] =	ssyncset.done $0x0  }
0x1c2: {  	[sflag:s14] =	ssyncadd.s32 $0xFFFF1000  }
0x1c3: {  	_ =	swait.ge [sflag:s1], $0xF000  }
0x1c4: {  	[sflag:s1] =	ssyncset.done $0x0  }
0x1c5: {  	s9 =	simm.s32 $0x1100;
	s25 =	rddreg [dreg:$0x8];
	[sflag:s1] =	ssyncadd.s32 $0xFFFF1000  }
0x1c6: {  	[hbm4b:s25+s3] =	stream.linear.scatter [tilespmem:s4], [sflag:$0x5], $0xF000, $0x38;
	[tilespmem:$0x1E100] =	vst v63  }
0x1c7: {  	s10 =	simm.s32 $0x1900;
	s11 =	simm.s32 $0x2100;
	_ =	swait.ge [sflag:s14], $0xF000  }
0x1c8: {  	s12 =	simm.s32 $0x2900;
	s13 =	simm.s32 $0x3100;
	s8 =	rddreg [dreg:$0xd]  }
0x1c9: {  	s16 =	simm.s32 $0x3900;
	s26 =	rddreg [dreg:$0x9];
	s8 =	sadd.s32 $0x1, s8  }
0x1ca: {  	s17 =	simm.s32 $0x4100;
	s18 =	simm.s32 $0x4900;
	p0 =	sne.s32 s8, s26  }
.Ltmp1:
0x1cb: {  	s19 =	simm.s32 $0x5100;
	s20 =	simm.s32 $0x5900;
	(pc) =	sbr.rel @p0 .LBB2_1-.Ltmp1, $4  }
0x1cc: {  	s21 =	simm.s32 $0x6100;
	s23 =	simm.s32 $0x6900;
	s24 =	simm.s32 $0x7100  }
0x1cd: {  	s28 =	simm.s32 $0x8100;
	s15 =	simm.s32 $0x8900;
	[sflag:s14] =	ssyncset.done $0x0  }
0x1ce: {  	s29 =	simm.s32 $0xA100;
	s25 =	simm.s32 $0x7900;
	[sflag:s14] =	ssyncadd.s32 $0xFFFF1000  }
0x1cf: {  	[dreg:$0xd] =	wrdreg s8;
	s8 =	simm.s32 $0x900;
	s26 =	simm.s32 $0x9100  }
0x1d0: {  	_ =	sfence.sel $0x180000  }
0x1d1: {  	[bflag:$0x0] =	sbarrier.arrive $0xFFFF  }
0x1d2: {  	_ =	strace $0x9000004A  }
0x1d3: {  	s0 =	stileid.u32;
	[bflag:$0x2] =	sbarrier.arrive $0xFFFF  }
0x1d4: {  	p0 =	sne.s32 s0, $0x0;
	s0 =	rddreg [dreg:$0x2]  }
0x1d5: {  	s0 =	sadd.s32 @!p0 $0x100000, s0  }
0x1d6: {  	[sflag:s0] =	ssyncadd.tile.s32 @!p0 $0x1;
	_ =	shalt  }
.Lfunc_end2:
_tile_overlayer_lowered:
.L_overlay_start_2:
0x1d7: {  	(tag) =	ssettag $0x2  }
0x1d8: {  	s0 =	rddreg [dreg:$0x0];
	s2 =	stileid.u32  }
0x1d9: {  	s1 =	rddreg [dreg:$0x1];
	p0 =	sne.s32 s2, $0x0  }
0x1da: {  	s3 =	rddreg [dreg:$0x2];
	[bflag:$0x3] =	sbarrier.arrive $0xFFFF;
	s2 =	simm.s32 @!p0 $0x1C05  }
0x1db: {  	[timem:s3], [sflag:s2] =	dma.local @!p0 [hbm:s0], s1  }
0x1dc: {  	s0 =	simm.s32 @!p0 $0x5  }
0x1dd: {  	_ =	swait.ge @!p0 [sflag:s0], s1  }
0x1de: {  	s1 =	ssub.s32 @!p0 $0x0, s1;
	[sflag:s0] =	ssyncset.done @!p0 $0x0  }
0x1df: {  	[sflag:s0] =	ssyncadd.s32 @!p0 s1  }
0x1e0: {  	[bflag:$0x3] =	sbarrier.arrive $0xFFFF  }
0x1e1: {  	_ =	shalt  }

</sc_bundles>
